<compile_context>
chip_gen: v7x
topology: tpu7x:2x2x1
jax: 0.10.2.dev20260603
libtpu: 0.0.44.dev20260713+nightly
codegen_flags: <defaults>
</compile_context>

<pallas_src>
import jax
import jax.numpy as jnp
from jax import lax
from jax.experimental import pallas as pl
from jax.experimental.pallas import tpu as pltpu
from jax.experimental.pallas import tpu_sc as plsc

B = 256
HW = 28
N = 38400
SX = 32
IMG = 30 * SX
RTOT = B * IMG
NW = 32
IPT = B // NW
RCH = IPT * IMG
PCH = 1280
NB = 8
RS = NB * IMG


def _sc_body(flat_hbm, feat_hbm, p1_hbm, m2_hbm, flat_c, feat_c, dense_v,
             taps_v, m2_v, srt0, srt1, srt2, srt3):
    srts = (srt0, srt1, srt2, srt3)
    wid = lax.axis_index("s") * 2 + lax.axis_index("c")
    rbase = wid * RCH
    lanes = lax.iota(jnp.int32, 16)
    zf = jnp.zeros((16,), jnp.float32)
    onef = jnp.ones((16,), jnp.float32)

    def zero_body(v, c):
        dense_v[pl.ds(v * 16, 16)] = zf
        return c

    lax.fori_loop(0, (RCH + 128) // 16, zero_body, 0)

    def zero9_body(v, c):
        taps_v[pl.ds(9 * RCH + v * 16, 16)] = zf
        return c

    lax.fori_loop(0, RCH // 16, zero9_body, 0)

    for j in range(4):
        srts[j][pl.ds(16, 16)] = jnp.full((16,), -1, jnp.int32)
    big = RCH * 16

    def chunk_body(ci, c):
        pltpu.sync_copy(flat_hbm.at[pl.ds(ci * PCH, PCH)], flat_c)
        pltpu.sync_copy(feat_hbm.at[pl.ds(ci * PCH, PCH)], feat_c)

        def body(i, c2):
            for j in range(4):
                v = i * 4 + j
                rel = flat_c[pl.ds(v * 16, 16)] - rbase
                m = (rel >= 0) & (rel < RCH)
                relc = jnp.where(m, rel, 0)
                f = feat_c[pl.ds(v * 16, 16)]
                key = jnp.where(m, rel * 16 + lanes, big + lanes)
                sk, sv = plsc.sort_key_val(key, f)
                srts[j][pl.ds(0, 16)] = sk
                nxt = srts[j][pl.ds(1, 16)]
                win = ((sk >> 4) != (nxt >> 4)) & (sk < big)
                dst = jnp.where(sk < big, (sk >> 4) + 64, 0)
                plsc.store_scatter(dense_v, [dst], sv, mask=win)
                plsc.store_scatter(taps_v, [9 * RCH + relc], onef, mask=m)
            return c2

        lax.fori_loop(0, PCH // 64, body, 0)
        return c

    lax.fori_loop(0, N // PCH, chunk_body, 0)

    def exp_body(v, c):
        for k in range(9):
            if k == 4:
                continue
            d = (k // 3 - 1) * SX + (k % 3 - 1)
            taps_v[pl.ds(k * RCH + v * 16, 16)] = dense_v[pl.ds(64 + v * 16 + d, 16)]
        return c

    lax.fori_loop(0, RCH // 16, exp_body, 0)

    def m2_body(v, c):
        l = v * 16 + lanes
        li = l // 196
        pos = l % 196
        y = pos // 14
        x = pos % 14
        r2 = 9 * RCH + li * IMG + (2 * y + 1) * SX + (2 * x + 1)
        g0 = plsc.load_gather(taps_v, [r2])
        g1 = plsc.load_gather(taps_v, [r2 + 1])
        g2 = plsc.load_gather(taps_v, [r2 + SX])
        g3 = plsc.load_gather(taps_v, [r2 + SX + 1])
        m2_v[pl.ds(v * 16, 16)] = jnp.maximum(jnp.maximum(g0, g1),
                                              jnp.maximum(g2, g3))
        return c

    lax.fori_loop(0, IPT * 196 // 16, m2_body, 0)

    for k in range(10):
        if k == 4:
            pltpu.sync_copy(dense_v.at[pl.ds(64, RCH)],
                            p1_hbm.at[pl.ds(k * RTOT + rbase, RCH)])
        else:
            pltpu.sync_copy(taps_v.at[pl.ds(k * RCH, RCH)],
                            p1_hbm.at[pl.ds(k * RTOT + rbase, RCH)])
    pltpu.sync_copy(m2_v, m2_hbm.at[pl.ds(wid * IPT * 196, IPT * 196)])


def _densify(flat, feat):
    mesh = plsc.VectorSubcoreMesh(core_axis_name="c", subcore_axis_name="s")
    return pl.kernel(
        _sc_body,
        mesh=mesh,
        out_type=[jax.ShapeDtypeStruct((10 * RTOT,), jnp.float32),
                  jax.ShapeDtypeStruct((B * 196,), jnp.float32)],
        scratch_types=[pltpu.VMEM((PCH,), jnp.int32),
                       pltpu.VMEM((PCH,), jnp.float32),
                       pltpu.VMEM((RCH + 128,), jnp.float32),
                       pltpu.VMEM((10 * RCH,), jnp.float32),
                       pltpu.VMEM((IPT * 196,), jnp.float32),
                       pltpu.VMEM((32,), jnp.int32),
                       pltpu.VMEM((32,), jnp.int32),
                       pltpu.VMEM((32,), jnp.int32),
                       pltpu.VMEM((32,), jnp.int32)],
        compiler_params=pltpu.CompilerParams(needs_layout_passes=False),
    )(flat, feat)


def _conv_body(p1_ref, m2_ref, w1r, wmr, bi1r, w2r, g2r, b2r,
               m2r_, v2r, w3r, g3r, b3r, m3r, v3r, out_ref):
    f32 = jnp.float32
    p1 = p1_ref[...]

    dn = (((0,), (0,)), ((), ()))
    hc = lax.dot_general(p1, w1r[...], dn, preferred_element_type=f32)
    m64 = lax.dot_general(p1, wmr[...], dn, preferred_element_type=f32)
    h1 = jnp.maximum(hc + bi1r[...], 0.0) * m64[:, :32]

    hp = jnp.pad(h1, ((40, 40), (0, 0)))
    w2b = w2r[...]
    acc = jnp.zeros((RS, 64), f32)
    for k in range(9):
        d = (k // 3 - 1) * SX + (k % 3 - 1)
        acc = acc + jnp.dot(hp[40 + d:40 + d + RS, :], w2b[k],
                            preferred_element_type=f32)
    sc2 = g2r[...] * lax.rsqrt(v2r[...] + 1e-5)
    bi2 = b2r[...] - m2r_[...] * sc2
    h2 = jnp.maximum(acc * sc2 + bi2, 0.0) * m64

    h2r = h2.reshape(NB, 30, SX, 64)[:, 1:29, 1:29, :]
    h2s = h2r.reshape(NB, 14, 2, 14, 2, 64)
    acc3 = jnp.zeros((NB * 196, 64), f32)
    for k in range(4):
        dy, dx = divmod(k, 2)
        a = h2s[:, :, dy, :, dx, :].reshape(NB * 196, 64)
        acc3 = acc3 + jnp.dot(a, w3r[k], preferred_element_type=f32)
    sc3 = g3r[...] * lax.rsqrt(v3r[...] + 1e-5)
    bi3 = b3r[...] - m3r[...] * sc3
    h3 = jnp.maximum(acc3 * sc3 + bi3, 0.0) * m2_ref[...]
    out_ref[...] = h3.reshape(NB, 14, 14, 64)


def _run_conv(p1, m2, w1, g1, b1, m1, v1, w2, g2, b2, m2_, v2,
              w3, g3, b3, m3, v3):
    grid = B // NB
    row1 = lambda c: ((1, c), lambda i: (0, 0))
    sc1 = g1 * lax.rsqrt(v1 + 1e-5)
    bi1 = (b1 - m1 * sc1).reshape(1, 32)
    w1s = jnp.zeros((10, 32), jnp.float32)
    w1s = w1s.at[:9, :].set(w1.reshape(9, 32) * sc1[None, :])
    wm = jnp.zeros((10, 64), jnp.float32).at[9, :].set(1.0)
    wspec = [
        pl.BlockSpec((10, 32), lambda i: (0, 0)),
        pl.BlockSpec((10, 64), lambda i: (0, 0)),
        pl.BlockSpec(*row1(32)),
        pl.BlockSpec((9, 32, 64), lambda i: (0, 0, 0)),
        *(pl.BlockSpec(*row1(64)) for _ in range(4)),
        pl.BlockSpec((4, 64, 64), lambda i: (0, 0, 0)),
        *(pl.BlockSpec(*row1(64)) for _ in range(4)),
    ]
    return pl.pallas_call(
        _conv_body,
        grid=(grid,),
        in_specs=[
            pl.BlockSpec((10, RS), lambda i: (0, i)),
            pl.BlockSpec((NB * 196, 1), lambda i: (i, 0)),
            *wspec,
        ],
        out_specs=pl.BlockSpec((NB, 14, 14, 64), lambda i: (i, 0, 0, 0)),
        out_shape=jax.ShapeDtypeStruct((B, 14, 14, 64), jnp.float32),
    )(p1, m2, w1s, wm, bi1, w2.reshape(9, 32, 64),
      g2.reshape(1, 64), b2.reshape(1, 64), m2_.reshape(1, 64),
      v2.reshape(1, 64), w3.reshape(4, 64, 64), g3.reshape(1, 64),
      b3.reshape(1, 64), m3.reshape(1, 64), v3.reshape(1, 64))


def _fc_body(a_ref, w1_ref, b1_ref, w2_ref, b2_ref, out_ref):
    f32 = jnp.float32
    z1 = jnp.dot(a_ref[...], w1_ref[...], preferred_element_type=f32)
    z1 = jnp.maximum(z1 + b1_ref[...], 0.0)
    z2 = jnp.dot(z1, w2_ref[...], preferred_element_type=f32) + b2_ref[...]
    col = lax.broadcasted_iota(jnp.int32, (B, 128), 1)
    zm = jnp.where(col < 10, z2, -1e30)
    mx = jnp.max(zm, axis=1, keepdims=True)
    s = jnp.sum(jnp.exp(zm - mx), axis=1, keepdims=True)
    out_ref[...] = z2 - mx - jnp.log(s)


def _run_fc(h3r, fc1_w, fc1_b, fc2_w, fc2_b):
    w1 = fc1_w.reshape(64, 196, 128).transpose(1, 0, 2).reshape(196 * 64, 128)
    w2p = jnp.zeros((128, 128), jnp.float32).at[:, :10].set(fc2_w)
    b2p = jnp.zeros((1, 128), jnp.float32).at[:, :10].set(fc2_b[None, :])
    out = pl.pallas_call(
        _fc_body,
        out_shape=jax.ShapeDtypeStruct((B, 128), jnp.float32),
    )(h3r, w1, fc1_b.reshape(1, 128), w2p, b2p)
    return out[:, :10]


def kernel(features, indices, w1, g1, b1, m1, v1, w2, g2, b2, m2, v2,
           w3, g3, b3, m3, v3, fc1_w, fc1_b, fc2_w, fc2_b):
    flat = (indices[:, 0] * IMG + (indices[:, 1] + 1) * SX
            + indices[:, 2] + 1)
    p1f, m2col = _densify(flat, features[:, 0])
    h3 = _run_conv(p1f.reshape(10, RTOT), m2col.reshape(B * 196, 1),
                   w1, g1, b1, m1, v1, w2, g2, b2, m2, v2,
                   w3, g3, b3, m3, v3)
    return _run_fc(h3.reshape(B, 196 * 64), fc1_w, fc1_b, fc2_w, fc2_b)

# --- scband reference (transcript-rebuilt; emitter-appended) ---
"""Pipeline reference for scband-net-16681652977710 (READ-ONLY COPY).

The authoritative reference and input builder live on the scoring server;
editing this copy changes nothing except your own understanding.
"""

import jax, jax.numpy as jnp
import numpy as np
from jax import lax

B = 256
HW = 28
N = 38400


def _bn(x, g, b, m, v):
    return (x - m) / jnp.sqrt(v + 1e-5) * g + b


def _conv(x, w, stride, padding):
    return lax.conv_general_dilated(x, w, window_strides=(stride, stride), padding=padding,
                                    dimension_numbers=('NHWC', 'HWIO', 'NHWC'))


def setup_inputs(seed: int = 0) -> dict:
    key = jax.random.key(seed)
    ks = jax.random.split(key, 20)
    features = jax.random.normal(ks[0], (N, 1), dtype=jnp.float32)
    bidx = jax.random.randint(ks[1], (N,), 0, B)
    yidx = jax.random.randint(ks[2], (N,), 0, HW)
    xidx = jax.random.randint(ks[3], (N,), 0, HW)
    indices = jnp.stack([bidx, yidx, xidx], axis=1).astype(jnp.int32)
    w1 = jax.random.normal(ks[4], (3, 3, 1, 32), dtype=jnp.float32) * 0.3
    g1 = 1.0 + 0.1 * jax.random.normal(ks[5], (32,), dtype=jnp.float32)
    b1 = 0.1 * jax.random.normal(ks[6], (32,), dtype=jnp.float32)
    m1 = 0.01 * jax.random.normal(ks[7], (32,), dtype=jnp.float32)
    v1 = jax.random.uniform(ks[8], (32,), minval=0.5, maxval=1.5, dtype=jnp.float32)
    w2 = jax.random.normal(ks[9], (3, 3, 32, 64), dtype=jnp.float32) * 0.06
    g2 = 1.0 + 0.1 * jax.random.normal(ks[10], (64,), dtype=jnp.float32)
    b2 = 0.1 * jax.random.normal(ks[11], (64,), dtype=jnp.float32)
    m2 = 0.01 * jax.random.normal(ks[12], (64,), dtype=jnp.float32)
    v2 = jax.random.uniform(ks[13], (64,), minval=0.5, maxval=1.5, dtype=jnp.float32)
    w3 = jax.random.normal(ks[14], (2, 2, 64, 64), dtype=jnp.float32) * 0.06
    g3 = 1.0 + 0.1 * jax.random.normal(ks[15], (64,), dtype=jnp.float32)
    b3 = 0.1 * jax.random.normal(ks[16], (64,), dtype=jnp.float32)
    m3 = 0.01 * jax.random.normal(ks[17], (64,), dtype=jnp.float32)
    v3 = jax.random.uniform(ks[18], (64,), minval=0.5, maxval=1.5, dtype=jnp.float32)
    k2 = jax.random.split(ks[19], 4)
    fc1_w = jax.random.normal(k2[0], (14 * 14 * 64, 128), dtype=jnp.float32) * 0.01
    fc1_b = jnp.zeros((128,), dtype=jnp.float32)
    fc2_w = jax.random.normal(k2[1], (128, 10), dtype=jnp.float32) * 0.05
    fc2_b = jnp.zeros((10,), dtype=jnp.float32)
    return {"features": features, "indices": indices,
            "w1": w1, "g1": g1, "b1": b1, "m1": m1, "v1": v1,
            "w2": w2, "g2": g2, "b2": b2, "m2": m2, "v2": v2,
            "w3": w3, "g3": g3, "b3": b3, "m3": m3, "v3": v3,
            "fc1_w": fc1_w, "fc1_b": fc1_b, "fc2_w": fc2_w, "fc2_b": fc2_b}


def reference(features, indices, w1, g1, b1, m1, v1, w2, g2, b2, m2, v2,
              w3, g3, b3, m3, v3, fc1_w, fc1_b, fc2_w, fc2_b):
    bi = indices[:, 0]
    yi = indices[:, 1]
    xi = indices[:, 2]
    # scatter sparse features into dense NHWC grid (SparseConvTensor densify)
    dense = jnp.zeros((B, HW, HW, 1), dtype=jnp.float32).at[bi, yi, xi].set(features)
    mask = jnp.zeros((B, HW, HW, 1), dtype=jnp.float32).at[bi, yi, xi, 0].set(1.0)
    # SubMConv2d(1->32, k=3, pad=1): outputs only at active sites (mask)
    h = _conv(dense, w1, 1, 'SAME')
    h = jax.nn.relu(_bn(h, g1, b1, m1, v1)) * mask
    # SubMConv2d(32->64, k=3, pad=1)
    h = _conv(h, w2, 1, 'SAME')
    h = jax.nn.relu(_bn(h, g2, b2, m2, v2)) * mask
    # SparseConv2d(64->64, k=2, stride=2, pad=0): active where any input in window active
    mask2 = lax.reduce_window(mask, -jnp.inf, lax.max, (1, 2, 2, 1), (1, 2, 2, 1), 'VALID')
    mask2 = jnp.maximum(mask2, 0.0)
    h = _conv(h, w3, 2, 'VALID')
    h = jax.nn.relu(_bn(h, g3, b3, m3, v3)) * mask2
    # ToDense -> NCHW, flatten (matches torch.flatten on [B,64,14,14])
    h = jnp.transpose(h, (0, 3, 1, 2)).reshape(B, -1)
    # dropout is identity in eval mode
    h = jax.nn.relu(h @ fc1_w + fc1_b)
    h = h @ fc2_w + fc2_b
    return jax.nn.log_softmax(h, axis=1)

if __name__ == "__main__":
    import jax
    _d = setup_inputs()
    print(jax.jit(kernel)(*tuple(_d.values())))

</pallas_src>

<mosaic_0001>
#map = affine_map<(d0, d1) -> (0)>
module attributes {stable_mosaic.version = 14 : i64} {
  func.func @_sc_body(%arg0: i32, %arg1: i32, %arg2: memref<38400xi32, #tpu.memory_space<hbm>>, %arg3: memref<38400xf32, #tpu.memory_space<hbm>>, %arg4: memref<2457600xf32, #tpu.memory_space<hbm>>, %arg5: memref<50176xf32, #tpu.memory_space<hbm>>, %arg6: memref<1280xi32, #tpu.memory_space<vmem>>, %arg7: memref<1280xf32, #tpu.memory_space<vmem>>, %arg8: memref<7808xf32, #tpu.memory_space<vmem>>, %arg9: memref<76800xf32, #tpu.memory_space<vmem>>, %arg10: memref<1568xf32, #tpu.memory_space<vmem>>, %arg11: memref<32xi32, #tpu.memory_space<vmem>>, %arg12: memref<32xi32, #tpu.memory_space<vmem>>, %arg13: memref<32xi32, #tpu.memory_space<vmem>>, %arg14: memref<32xi32, #tpu.memory_space<vmem>>) attributes {dimension_semantics = [#tpu.dimension_semantics<core_parallel>, #tpu.dimension_semantics<subcore_parallel>], iteration_bounds = array<i64: 2, 16>, scalar_prefetch = 0 : i64, scratch_operands = 9 : i64, tpu.core_type = #tpu.core_type<sc_vector_subcore>, window_params = [{transform_indices = #map}, {transform_indices = #map}, {transform_indices = #map}, {transform_indices = #map}]} {
    %mul3A = arith.constant 2 : i32
    %mul3A_0 = arith.muli %arg1, %mul3A : i32
    %add3A = arith.addi %mul3A_0, %arg0 : i32
    %mul3A_1 = arith.constant 7680 : i32
    %mul3A_2 = arith.muli %add3A, %mul3A_1 : i32
    %iota3A = tpu.iota {dimensions = array<i32: 0>} : vector<16xi32>
    %broadcast_in_dim3A = arith.constant 0.000000e+00 : f32
    %broadcast_in_dim3A_3 = vector.broadcast %broadcast_in_dim3A : f32 to vector<16xf32>
    %broadcast_in_dim3A_4 = arith.constant 1.000000e+00 : f32
    %broadcast_in_dim3A_5 = vector.broadcast %broadcast_in_dim3A_4 : f32 to vector<16xf32>
    %scan3A = arith.constant 0 : i32
    %scan3A_6 = arith.constant 0 : i32
    %scan3A_7 = arith.constant 488 : i32
    %scan3A_8 = arith.addi %scan3A_6, %scan3A_7 : i32
    %scan3A_9 = arith.constant 1 : i32
    scf.for %scan3A_74 = %scan3A_6 to %scan3A_8 step %scan3A_9  : i32 {
      %mul3A_75 = arith.constant 16 : i32
      %mul3A_76 = arith.muli %scan3A_74, %mul3A_75 : i32
      %swap3A_77 = arith.index_cast %mul3A_76 : i32 to index
      %swap3A_78 = tpu.vector_load %arg8[%swap3A_77] {strides = array<i32>} : memref<7808xf32, #tpu.memory_space<vmem>>, vector<16xf32>,
      tpu.vector_store %arg8[%swap3A_77], %broadcast_in_dim3A_3 {strides = array<i32>} : memref<7808xf32, #tpu.memory_space<vmem>>, vector<16xf32>,
    }
    %scan3A_10 = arith.constant 488 : i32
    %scan3A_11 = arith.constant 0 : i32
    %scan3A_12 = arith.constant 0 : i32
    %scan3A_13 = arith.constant 480 : i32
    %scan3A_14 = arith.addi %scan3A_12, %scan3A_13 : i32
    %scan3A_15 = arith.constant 1 : i32
    scf.for %scan3A_74 = %scan3A_12 to %scan3A_14 step %scan3A_15  : i32 {
      %mul3A_75 = arith.constant 16 : i32
      %mul3A_76 = arith.muli %scan3A_74, %mul3A_75 : i32
      %add3A_77 = arith.constant 69120 : i32
      %add3A_78 = arith.addi %add3A_77, %mul3A_76 : i32
      %swap3A_79 = arith.index_cast %add3A_78 : i32 to index
      %swap3A_80 = tpu.vector_load %arg9[%swap3A_79] {strides = array<i32>} : memref<76800xf32, #tpu.memory_space<vmem>>, vector<16xf32>,
      tpu.vector_store %arg9[%swap3A_79], %broadcast_in_dim3A_3 {strides = array<i32>} : memref<76800xf32, #tpu.memory_space<vmem>>, vector<16xf32>,
    }
    %scan3A_16 = arith.constant 480 : i32
    %broadcast_in_dim3A_17 = arith.constant -1 : i32
    %broadcast_in_dim3A_18 = vector.broadcast %broadcast_in_dim3A_17 : i32 to vector<16xi32>
    %swap3A = arith.constant 16 : index
    %swap3A_19 = tpu.vector_load %arg11[%swap3A] {strides = array<i32>} : memref<32xi32, #tpu.memory_space<vmem>>, vector<16xi32>,
    tpu.vector_store %arg11[%swap3A], %broadcast_in_dim3A_18 {strides = array<i32>} : memref<32xi32, #tpu.memory_space<vmem>>, vector<16xi32>,
    %broadcast_in_dim3A_20 = arith.constant -1 : i32
    %broadcast_in_dim3A_21 = vector.broadcast %broadcast_in_dim3A_20 : i32 to vector<16xi32>
    %swap3A_22 = arith.constant 16 : index
    %swap3A_23 = tpu.vector_load %arg12[%swap3A_22] {strides = array<i32>} : memref<32xi32, #tpu.memory_space<vmem>>, vector<16xi32>,
    tpu.vector_store %arg12[%swap3A_22], %broadcast_in_dim3A_21 {strides = array<i32>} : memref<32xi32, #tpu.memory_space<vmem>>, vector<16xi32>,
    %broadcast_in_dim3A_24 = arith.constant -1 : i32
    %broadcast_in_dim3A_25 = vector.broadcast %broadcast_in_dim3A_24 : i32 to vector<16xi32>
    %swap3A_26 = arith.constant 16 : index
    %swap3A_27 = tpu.vector_load %arg13[%swap3A_26] {strides = array<i32>} : memref<32xi32, #tpu.memory_space<vmem>>, vector<16xi32>,
    tpu.vector_store %arg13[%swap3A_26], %broadcast_in_dim3A_25 {strides = array<i32>} : memref<32xi32, #tpu.memory_space<vmem>>, vector<16xi32>,
    %broadcast_in_dim3A_28 = arith.constant -1 : i32
    %broadcast_in_dim3A_29 = vector.broadcast %broadcast_in_dim3A_28 : i32 to vector<16xi32>
    %swap3A_30 = arith.constant 16 : index
    %swap3A_31 = tpu.vector_load %arg14[%swap3A_30] {strides = array<i32>} : memref<32xi32, #tpu.memory_space<vmem>>, vector<16xi32>,
    tpu.vector_store %arg14[%swap3A_30], %broadcast_in_dim3A_29 {strides = array<i32>} : memref<32xi32, #tpu.memory_space<vmem>>, vector<16xi32>,
    %scan3A_32 = arith.constant 0 : i32
    %scan3A_33 = arith.constant 0 : i32
    %scan3A_34 = arith.constant 30 : i32
    %scan3A_35 = arith.addi %scan3A_33, %scan3A_34 : i32
    %scan3A_36 = arith.constant 1 : i32
    scf.for %scan3A_74 = %scan3A_33 to %scan3A_35 step %scan3A_36  : i32 {
      %mul3A_75 = arith.constant 1280 : i32
      %mul3A_76 = arith.muli %scan3A_74, %mul3A_75 : i32
      "tpu.region"() ({
        %run_scoped3A = tpu.sem_alloc : memref<!tpu.dma_semaphore, #tpu.memory_space<semaphore_mem>>
        %dma_start3A = tpu.memref_slice %arg2[%mul3A_76] : memref<38400xi32, #tpu.memory_space<hbm>> -> memref<1280xi32, #tpu.memory_space<hbm>>
        %dma_start3A_85 = tpu.memref_slice %arg2[%mul3A_76] : memref<38400xi32, #tpu.memory_space<hbm>> -> memref<1280xi32, #tpu.memory_space<hbm>>
        tpu.enqueue_dma source(%dma_start3A_85 : memref<1280xi32, #tpu.memory_space<hbm>>) target(%arg6 : memref<1280xi32, #tpu.memory_space<vmem>>) target_semaphore(%run_scoped3A : memref<!tpu.dma_semaphore, #tpu.memory_space<semaphore_mem>>)
        %dma_wait3A = tpu.memref_slice %arg2[%mul3A_76] : memref<38400xi32, #tpu.memory_space<hbm>> -> memref<1280xi32, #tpu.memory_space<hbm>>
        %dma_wait3A_86 = tpu.memref_slice %arg2[%mul3A_76] : memref<38400xi32, #tpu.memory_space<hbm>> -> memref<1280xi32, #tpu.memory_space<hbm>>
        tpu.wait_dma2 semaphore(%run_scoped3A : memref<!tpu.dma_semaphore, #tpu.memory_space<semaphore_mem>>) src(%dma_wait3A_86 : memref<1280xi32, #tpu.memory_space<hbm>>) dst(%arg6 : memref<1280xi32, #tpu.memory_space<vmem>>)
        tpu.yield
      }) : () -> ()
      %mul3A_77 = arith.constant 1280 : i32
      %mul3A_78 = arith.muli %scan3A_74, %mul3A_77 : i32
      "tpu.region"() ({
        %run_scoped3A = tpu.sem_alloc : memref<!tpu.dma_semaphore, #tpu.memory_space<semaphore_mem>>
        %dma_start3A = tpu.memref_slice %arg3[%mul3A_78] : memref<38400xf32, #tpu.memory_space<hbm>> -> memref<1280xf32, #tpu.memory_space<hbm>>
        %dma_start3A_85 = tpu.memref_slice %arg3[%mul3A_78] : memref<38400xf32, #tpu.memory_space<hbm>> -> memref<1280xf32, #tpu.memory_space<hbm>>
        tpu.enqueue_dma source(%dma_start3A_85 : memref<1280xf32, #tpu.memory_space<hbm>>) target(%arg7 : memref<1280xf32, #tpu.memory_space<vmem>>) target_semaphore(%run_scoped3A : memref<!tpu.dma_semaphore, #tpu.memory_space<semaphore_mem>>)
        %dma_wait3A = tpu.memref_slice %arg3[%mul3A_78] : memref<38400xf32, #tpu.memory_space<hbm>> -> memref<1280xf32, #tpu.memory_space<hbm>>
        %dma_wait3A_86 = tpu.memref_slice %arg3[%mul3A_78] : memref<38400xf32, #tpu.memory_space<hbm>> -> memref<1280xf32, #tpu.memory_space<hbm>>
        tpu.wait_dma2 semaphore(%run_scoped3A : memref<!tpu.dma_semaphore, #tpu.memory_space<semaphore_mem>>) src(%dma_wait3A_86 : memref<1280xf32, #tpu.memory_space<hbm>>) dst(%arg7 : memref<1280xf32, #tpu.memory_space<vmem>>)
        tpu.yield
      }) : () -> ()
      %scan3A_79 = arith.constant 0 : i32
      %scan3A_80 = arith.constant 0 : i32
      %scan3A_81 = arith.constant 20 : i32
      %scan3A_82 = arith.addi %scan3A_80, %scan3A_81 : i32
      %scan3A_83 = arith.constant 1 : i32
      scf.for %scan3A_85 = %scan3A_80 to %scan3A_82 step %scan3A_83  : i32 {
        %mul3A_86 = arith.constant 4 : i32
        %mul3A_87 = arith.muli %scan3A_85, %mul3A_86 : i32
        %add3A_88 = arith.constant 0 : i32
        %add3A_89 = arith.addi %mul3A_87, %add3A_88 : i32
        %mul3A_90 = arith.constant 16 : i32
        %mul3A_91 = arith.muli %add3A_89, %mul3A_90 : i32
        %get3A = arith.index_cast %mul3A_91 : i32 to index
        %get3A_92 = tpu.vector_load %arg6[%get3A] {strides = array<i32>} : memref<1280xi32, #tpu.memory_space<vmem>>, vector<16xi32>,
        %sub3A = vector.broadcast %mul3A_2 : i32 to vector<16xi32>
        %sub3A_93 = arith.subi %get3A_92, %sub3A : vector<16xi32>
        %ge3A = arith.constant 0 : i32
        %ge3A_94 = vector.broadcast %ge3A : i32 to vector<16xi32>
        %ge3A_95 = arith.cmpi sge, %sub3A_93, %ge3A_94 : vector<16xi32>
        %lt3A = arith.constant 7680 : i32
        %lt3A_96 = vector.broadcast %lt3A : i32 to vector<16xi32>
        %lt3A_97 = arith.cmpi slt, %sub3A_93, %lt3A_96 : vector<16xi32>
        %and3A = arith.andi %ge3A_95, %lt3A_97 : vector<16xi1>
        %jit3A = arith.constant 0 : i32
        %broadcast_in_dim3A_98 = vector.broadcast %jit3A : i32 to vector<16xi32>
        %select_n3A = arith.select %and3A, %sub3A_93, %broadcast_in_dim3A_98 : vector<16xi1>, vector<16xi32>
        %mul3A_99 = arith.constant 16 : i32
        %mul3A_100 = arith.muli %add3A_89, %mul3A_99 : i32
        %get3A_101 = arith.index_cast %mul3A_100 : i32 to index
        %get3A_102 = tpu.vector_load %arg7[%get3A_101] {strides = array<i32>} : memref<1280xf32, #tpu.memory_space<vmem>>, vector<16xf32>,
        %mul3A_103 = arith.constant 16 : i32
        %mul3A_104 = vector.broadcast %mul3A_103 : i32 to vector<16xi32>
        %mul3A_105 = arith.muli %sub3A_93, %mul3A_104 : vector<16xi32>
        %add3A_106 = arith.addi %mul3A_105, %iota3A : vector<16xi32>
        %add3A_107 = arith.constant 122880 : i32
        %add3A_108 = vector.broadcast %add3A_107 : i32 to vector<16xi32>
        %add3A_109 = arith.addi %add3A_108, %iota3A : vector<16xi32>
        %select_n3A_110 = arith.select %and3A, %add3A_106, %add3A_109 : vector<16xi1>, vector<16xi32>
        %masked_sort3A = arith.constant dense<true> : vector<16xi1>
        %masked_sort3A_111 = arith.constant -2147483648 : i32
        %masked_sort3A_112 = vector.broadcast %masked_sort3A_111 : i32 to vector<16xi32>
        %masked_sort3A_113 = arith.xori %select_n3A_110, %masked_sort3A_112 : vector<16xi32>
        %masked_sort3A_114, %masked_sort3A_115, %masked_sort3A_116 = tpu.sort %masked_sort3A_113, %get3A_102 masked %masked_sort3A : (vector<16xi32>, vector<16xf32>, vector<16xi1>) -> (vector<16xi1>, vector<16xi32>, vector<16xf32>)
        %masked_sort3A_117 = arith.xori %masked_sort3A_115, %masked_sort3A_112 : vector<16xi32>
        %swap3A_118 = arith.constant 0 : index
        %swap3A_119 = tpu.vector_load %arg11[%swap3A_118] {strides = array<i32>} : memref<32xi32, #tpu.memory_space<vmem>>, vector<16xi32>,
        tpu.vector_store %arg11[%swap3A_118], %masked_sort3A_117 {strides = array<i32>} : memref<32xi32, #tpu.memory_space<vmem>>, vector<16xi32>,
        %get3A_120 = arith.constant 1 : index
        %get3A_121 = tpu.vector_load %arg11[%get3A_120] {strides = array<i32>} : memref<32xi32, #tpu.memory_space<vmem>>, vector<16xi32>,
        %shift_right_arithmetic3A = arith.constant 4 : i32
        %shift_right_arithmetic3A_122 = vector.broadcast %shift_right_arithmetic3A : i32 to vector<16xi32>
        %shift_right_arithmetic3A_123 = arith.shrsi %masked_sort3A_117, %shift_right_arithmetic3A_122 : vector<16xi32>
        %shift_right_arithmetic3A_124 = arith.constant 4 : i32
        %shift_right_arithmetic3A_125 = vector.broadcast %shift_right_arithmetic3A_124 : i32 to vector<16xi32>
        %shift_right_arithmetic3A_126 = arith.shrsi %get3A_121, %shift_right_arithmetic3A_125 : vector<16xi32>
        %ne3A = arith.cmpi ne, %shift_right_arithmetic3A_123, %shift_right_arithmetic3A_126 : vector<16xi32>
        %lt3A_127 = arith.constant 122880 : i32
        %lt3A_128 = vector.broadcast %lt3A_127 : i32 to vector<16xi32>
        %lt3A_129 = arith.cmpi slt, %masked_sort3A_117, %lt3A_128 : vector<16xi32>
        %and3A_130 = arith.andi %ne3A, %lt3A_129 : vector<16xi1>
        %lt3A_131 = arith.constant 122880 : i32
        %lt3A_132 = vector.broadcast %lt3A_131 : i32 to vector<16xi32>
        %lt3A_133 = arith.cmpi slt, %masked_sort3A_117, %lt3A_132 : vector<16xi32>
        %shift_right_arithmetic3A_134 = arith.constant 4 : i32
        %shift_right_arithmetic3A_135 = vector.broadcast %shift_right_arithmetic3A_134 : i32 to vector<16xi32>
        %shift_right_arithmetic3A_136 = arith.shrsi %masked_sort3A_117, %shift_right_arithmetic3A_135 : vector<16xi32>
        %add3A_137 = arith.constant 64 : i32
        %add3A_138 = vector.broadcast %add3A_137 : i32 to vector<16xi32>
        %add3A_139 = arith.addi %shift_right_arithmetic3A_136, %add3A_138 : vector<16xi32>
        %jit3A_140 = arith.constant 0 : i32
        %broadcast_in_dim3A_141 = vector.broadcast %jit3A_140 : i32 to vector<16xi32>
        %select_n3A_142 = arith.select %lt3A_133, %add3A_139, %broadcast_in_dim3A_141 : vector<16xi1>, vector<16xi32>
        tpu.vector_store_idx %arg8[%select_n3A_142], %masked_sort3A_116 masked %and3A_130 : memref<7808xf32, #tpu.memory_space<vmem>>[vector<16xi32>], vector<16xf32>, vector<16xi1>
        %add3A_143 = arith.constant 69120 : i32
        %add3A_144 = vector.broadcast %add3A_143 : i32 to vector<16xi32>
        %add3A_145 = arith.addi %add3A_144, %select_n3A : vector<16xi32>
        tpu.vector_store_idx %arg9[%add3A_145], %broadcast_in_dim3A_5 masked %and3A : memref<76800xf32, #tpu.memory_space<vmem>>[vector<16xi32>], vector<16xf32>, vector<16xi1>
        %mul3A_146 = arith.constant 4 : i32
        %mul3A_147 = arith.muli %scan3A_85, %mul3A_146 : i32
        %add3A_148 = arith.constant 1 : i32
        %add3A_149 = arith.addi %mul3A_147, %add3A_148 : i32
        %mul3A_150 = arith.constant 16 : i32
        %mul3A_151 = arith.muli %add3A_149, %mul3A_150 : i32
        %get3A_152 = arith.index_cast %mul3A_151 : i32 to index
        %get3A_153 = tpu.vector_load %arg6[%get3A_152] {strides = array<i32>} : memref<1280xi32, #tpu.memory_space<vmem>>, vector<16xi32>,
        %sub3A_154 = vector.broadcast %mul3A_2 : i32 to vector<16xi32>
        %sub3A_155 = arith.subi %get3A_153, %sub3A_154 : vector<16xi32>
        %ge3A_156 = arith.constant 0 : i32
        %ge3A_157 = vector.broadcast %ge3A_156 : i32 to vector<16xi32>
        %ge3A_158 = arith.cmpi sge, %sub3A_155, %ge3A_157 : vector<16xi32>
        %lt3A_159 = arith.constant 7680 : i32
        %lt3A_160 = vector.broadcast %lt3A_159 : i32 to vector<16xi32>
        %lt3A_161 = arith.cmpi slt, %sub3A_155, %lt3A_160 : vector<16xi32>
        %and3A_162 = arith.andi %ge3A_158, %lt3A_161 : vector<16xi1>
        %jit3A_163 = arith.constant 0 : i32
        %broadcast_in_dim3A_164 = vector.broadcast %jit3A_163 : i32 to vector<16xi32>
        %select_n3A_165 = arith.select %and3A_162, %sub3A_155, %broadcast_in_dim3A_164 : vector<16xi1>, vector<16xi32>
        %mul3A_166 = arith.constant 16 : i32
        %mul3A_167 = arith.muli %add3A_149, %mul3A_166 : i32
        %get3A_168 = arith.index_cast %mul3A_167 : i32 to index
        %get3A_169 = tpu.vector_load %arg7[%get3A_168] {strides = array<i32>} : memref<1280xf32, #tpu.memory_space<vmem>>, vector<16xf32>,
        %mul3A_170 = arith.constant 16 : i32
        %mul3A_171 = vector.broadcast %mul3A_170 : i32 to vector<16xi32>
        %mul3A_172 = arith.muli %sub3A_155, %mul3A_171 : vector<16xi32>
        %add3A_173 = arith.addi %mul3A_172, %iota3A : vector<16xi32>
        %add3A_174 = arith.constant 122880 : i32
        %add3A_175 = vector.broadcast %add3A_174 : i32 to vector<16xi32>
        %add3A_176 = arith.addi %add3A_175, %iota3A : vector<16xi32>
        %select_n3A_177 = arith.select %and3A_162, %add3A_173, %add3A_176 : vector<16xi1>, vector<16xi32>
        %masked_sort3A_178 = arith.constant dense<true> : vector<16xi1>
        %masked_sort3A_179 = arith.constant -2147483648 : i32
        %masked_sort3A_180 = vector.broadcast %masked_sort3A_179 : i32 to vector<16xi32>
        %masked_sort3A_181 = arith.xori %select_n3A_177, %masked_sort3A_180 : vector<16xi32>
        %masked_sort3A_182, %masked_sort3A_183, %masked_sort3A_184 = tpu.sort %masked_sort3A_181, %get3A_169 masked %masked_sort3A_178 : (vector<16xi32>, vector<16xf32>, vector<16xi1>) -> (vector<16xi1>, vector<16xi32>, vector<16xf32>)
        %masked_sort3A_185 = arith.xori %masked_sort3A_183, %masked_sort3A_180 : vector<16xi32>
        %swap3A_186 = arith.constant 0 : index
        %swap3A_187 = tpu.vector_load %arg12[%swap3A_186] {strides = array<i32>} : memref<32xi32, #tpu.memory_space<vmem>>, vector<16xi32>,
        tpu.vector_store %arg12[%swap3A_186], %masked_sort3A_185 {strides = array<i32>} : memref<32xi32, #tpu.memory_space<vmem>>, vector<16xi32>,
        %get3A_188 = arith.constant 1 : index
        %get3A_189 = tpu.vector_load %arg12[%get3A_188] {strides = array<i32>} : memref<32xi32, #tpu.memory_space<vmem>>, vector<16xi32>,
        %shift_right_arithmetic3A_190 = arith.constant 4 : i32
        %shift_right_arithmetic3A_191 = vector.broadcast %shift_right_arithmetic3A_190 : i32 to vector<16xi32>
        %shift_right_arithmetic3A_192 = arith.shrsi %masked_sort3A_185, %shift_right_arithmetic3A_191 : vector<16xi32>
        %shift_right_arithmetic3A_193 = arith.constant 4 : i32
        %shift_right_arithmetic3A_194 = vector.broadcast %shift_right_arithmetic3A_193 : i32 to vector<16xi32>
        %shift_right_arithmetic3A_195 = arith.shrsi %get3A_189, %shift_right_arithmetic3A_194 : vector<16xi32>
        %ne3A_196 = arith.cmpi ne, %shift_right_arithmetic3A_192, %shift_right_arithmetic3A_195 : vector<16xi32>
        %lt3A_197 = arith.constant 122880 : i32
        %lt3A_198 = vector.broadcast %lt3A_197 : i32 to vector<16xi32>
        %lt3A_199 = arith.cmpi slt, %masked_sort3A_185, %lt3A_198 : vector<16xi32>
        %and3A_200 = arith.andi %ne3A_196, %lt3A_199 : vector<16xi1>
        %lt3A_201 = arith.constant 122880 : i32
        %lt3A_202 = vector.broadcast %lt3A_201 : i32 to vector<16xi32>
        %lt3A_203 = arith.cmpi slt, %masked_sort3A_185, %lt3A_202 : vector<16xi32>
        %shift_right_arithmetic3A_204 = arith.constant 4 : i32
        %shift_right_arithmetic3A_205 = vector.broadcast %shift_right_arithmetic3A_204 : i32 to vector<16xi32>
        %shift_right_arithmetic3A_206 = arith.shrsi %masked_sort3A_185, %shift_right_arithmetic3A_205 : vector<16xi32>
        %add3A_207 = arith.constant 64 : i32
        %add3A_208 = vector.broadcast %add3A_207 : i32 to vector<16xi32>
        %add3A_209 = arith.addi %shift_right_arithmetic3A_206, %add3A_208 : vector<16xi32>
        %jit3A_210 = arith.constant 0 : i32
        %broadcast_in_dim3A_211 = vector.broadcast %jit3A_210 : i32 to vector<16xi32>
        %select_n3A_212 = arith.select %lt3A_203, %add3A_209, %broadcast_in_dim3A_211 : vector<16xi1>, vector<16xi32>
        tpu.vector_store_idx %arg8[%select_n3A_212], %masked_sort3A_184 masked %and3A_200 : memref<7808xf32, #tpu.memory_space<vmem>>[vector<16xi32>], vector<16xf32>, vector<16xi1>
        %add3A_213 = arith.constant 69120 : i32
        %add3A_214 = vector.broadcast %add3A_213 : i32 to vector<16xi32>
        %add3A_215 = arith.addi %add3A_214, %select_n3A_165 : vector<16xi32>
        tpu.vector_store_idx %arg9[%add3A_215], %broadcast_in_dim3A_5 masked %and3A_162 : memref<76800xf32, #tpu.memory_space<vmem>>[vector<16xi32>], vector<16xf32>, vector<16xi1>
        %mul3A_216 = arith.constant 4 : i32
        %mul3A_217 = arith.muli %scan3A_85, %mul3A_216 : i32
        %add3A_218 = arith.constant 2 : i32
        %add3A_219 = arith.addi %mul3A_217, %add3A_218 : i32
        %mul3A_220 = arith.constant 16 : i32
        %mul3A_221 = arith.muli %add3A_219, %mul3A_220 : i32
        %get3A_222 = arith.index_cast %mul3A_221 : i32 to index
        %get3A_223 = tpu.vector_load %arg6[%get3A_222] {strides = array<i32>} : memref<1280xi32, #tpu.memory_space<vmem>>, vector<16xi32>,
        %sub3A_224 = vector.broadcast %mul3A_2 : i32 to vector<16xi32>
        %sub3A_225 = arith.subi %get3A_223, %sub3A_224 : vector<16xi32>
        %ge3A_226 = arith.constant 0 : i32
        %ge3A_227 = vector.broadcast %ge3A_226 : i32 to vector<16xi32>
        %ge3A_228 = arith.cmpi sge, %sub3A_225, %ge3A_227 : vector<16xi32>
        %lt3A_229 = arith.constant 7680 : i32
        %lt3A_230 = vector.broadcast %lt3A_229 : i32 to vector<16xi32>
        %lt3A_231 = arith.cmpi slt, %sub3A_225, %lt3A_230 : vector<16xi32>
        %and3A_232 = arith.andi %ge3A_228, %lt3A_231 : vector<16xi1>
        %jit3A_233 = arith.constant 0 : i32
        %broadcast_in_dim3A_234 = vector.broadcast %jit3A_233 : i32 to vector<16xi32>
        %select_n3A_235 = arith.select %and3A_232, %sub3A_225, %broadcast_in_dim3A_234 : vector<16xi1>, vector<16xi32>
        %mul3A_236 = arith.constant 16 : i32
        %mul3A_237 = arith.muli %add3A_219, %mul3A_236 : i32
        %get3A_238 = arith.index_cast %mul3A_237 : i32 to index
        %get3A_239 = tpu.vector_load %arg7[%get3A_238] {strides = array<i32>} : memref<1280xf32, #tpu.memory_space<vmem>>, vector<16xf32>,
        %mul3A_240 = arith.constant 16 : i32
        %mul3A_241 = vector.broadcast %mul3A_240 : i32 to vector<16xi32>
        %mul3A_242 = arith.muli %sub3A_225, %mul3A_241 : vector<16xi32>
        %add3A_243 = arith.addi %mul3A_242, %iota3A : vector<16xi32>
        %add3A_244 = arith.constant 122880 : i32
        %add3A_245 = vector.broadcast %add3A_244 : i32 to vector<16xi32>
        %add3A_246 = arith.addi %add3A_245, %iota3A : vector<16xi32>
        %select_n3A_247 = arith.select %and3A_232, %add3A_243, %add3A_246 : vector<16xi1>, vector<16xi32>
        %masked_sort3A_248 = arith.constant dense<true> : vector<16xi1>
        %masked_sort3A_249 = arith.constant -2147483648 : i32
        %masked_sort3A_250 = vector.broadcast %masked_sort3A_249 : i32 to vector<16xi32>
        %masked_sort3A_251 = arith.xori %select_n3A_247, %masked_sort3A_250 : vector<16xi32>
        %masked_sort3A_252, %masked_sort3A_253, %masked_sort3A_254 = tpu.sort %masked_sort3A_251, %get3A_239 masked %masked_sort3A_248 : (vector<16xi32>, vector<16xf32>, vector<16xi1>) -> (vector<16xi1>, vector<16xi32>, vector<16xf32>)
        %masked_sort3A_255 = arith.xori %masked_sort3A_253, %masked_sort3A_250 : vector<16xi32>
        %swap3A_256 = arith.constant 0 : index
        %swap3A_257 = tpu.vector_load %arg13[%swap3A_256] {strides = array<i32>} : memref<32xi32, #tpu.memory_space<vmem>>, vector<16xi32>,
        tpu.vector_store %arg13[%swap3A_256], %masked_sort3A_255 {strides = array<i32>} : memref<32xi32, #tpu.memory_space<vmem>>, vector<16xi32>,
        %get3A_258 = arith.constant 1 : index
        %get3A_259 = tpu.vector_load %arg13[%get3A_258] {strides = array<i32>} : memref<32xi32, #tpu.memory_space<vmem>>, vector<16xi32>,
        %shift_right_arithmetic3A_260 = arith.constant 4 : i32
        %shift_right_arithmetic3A_261 = vector.broadcast %shift_right_arithmetic3A_260 : i32 to vector<16xi32>
        %shift_right_arithmetic3A_262 = arith.shrsi %masked_sort3A_255, %shift_right_arithmetic3A_261 : vector<16xi32>
        %shift_right_arithmetic3A_263 = arith.constant 4 : i32
        %shift_right_arithmetic3A_264 = vector.broadcast %shift_right_arithmetic3A_263 : i32 to vector<16xi32>
        %shift_right_arithmetic3A_265 = arith.shrsi %get3A_259, %shift_right_arithmetic3A_264 : vector<16xi32>
        %ne3A_266 = arith.cmpi ne, %shift_right_arithmetic3A_262, %shift_right_arithmetic3A_265 : vector<16xi32>
        %lt3A_267 = arith.constant 122880 : i32
        %lt3A_268 = vector.broadcast %lt3A_267 : i32 to vector<16xi32>
        %lt3A_269 = arith.cmpi slt, %masked_sort3A_255, %lt3A_268 : vector<16xi32>
        %and3A_270 = arith.andi %ne3A_266, %lt3A_269 : vector<16xi1>
        %lt3A_271 = arith.constant 122880 : i32
        %lt3A_272 = vector.broadcast %lt3A_271 : i32 to vector<16xi32>
        %lt3A_273 = arith.cmpi slt, %masked_sort3A_255, %lt3A_272 : vector<16xi32>
        %shift_right_arithmetic3A_274 = arith.constant 4 : i32
        %shift_right_arithmetic3A_275 = vector.broadcast %shift_right_arithmetic3A_274 : i32 to vector<16xi32>
        %shift_right_arithmetic3A_276 = arith.shrsi %masked_sort3A_255, %shift_right_arithmetic3A_275 : vector<16xi32>
        %add3A_277 = arith.constant 64 : i32
        %add3A_278 = vector.broadcast %add3A_277 : i32 to vector<16xi32>
        %add3A_279 = arith.addi %shift_right_arithmetic3A_276, %add3A_278 : vector<16xi32>
        %jit3A_280 = arith.constant 0 : i32
        %broadcast_in_dim3A_281 = vector.broadcast %jit3A_280 : i32 to vector<16xi32>
        %select_n3A_282 = arith.select %lt3A_273, %add3A_279, %broadcast_in_dim3A_281 : vector<16xi1>, vector<16xi32>
        tpu.vector_store_idx %arg8[%select_n3A_282], %masked_sort3A_254 masked %and3A_270 : memref<7808xf32, #tpu.memory_space<vmem>>[vector<16xi32>], vector<16xf32>, vector<16xi1>
        %add3A_283 = arith.constant 69120 : i32
        %add3A_284 = vector.broadcast %add3A_283 : i32 to vector<16xi32>
        %add3A_285 = arith.addi %add3A_284, %select_n3A_235 : vector<16xi32>
        tpu.vector_store_idx %arg9[%add3A_285], %broadcast_in_dim3A_5 masked %and3A_232 : memref<76800xf32, #tpu.memory_space<vmem>>[vector<16xi32>], vector<16xf32>, vector<16xi1>
        %mul3A_286 = arith.constant 4 : i32
        %mul3A_287 = arith.muli %scan3A_85, %mul3A_286 : i32
        %add3A_288 = arith.constant 3 : i32
        %add3A_289 = arith.addi %mul3A_287, %add3A_288 : i32
        %mul3A_290 = arith.constant 16 : i32
        %mul3A_291 = arith.muli %add3A_289, %mul3A_290 : i32
        %get3A_292 = arith.index_cast %mul3A_291 : i32 to index
        %get3A_293 = tpu.vector_load %arg6[%get3A_292] {strides = array<i32>} : memref<1280xi32, #tpu.memory_space<vmem>>, vector<16xi32>,
        %sub3A_294 = vector.broadcast %mul3A_2 : i32 to vector<16xi32>
        %sub3A_295 = arith.subi %get3A_293, %sub3A_294 : vector<16xi32>
        %ge3A_296 = arith.constant 0 : i32
        %ge3A_297 = vector.broadcast %ge3A_296 : i32 to vector<16xi32>
        %ge3A_298 = arith.cmpi sge, %sub3A_295, %ge3A_297 : vector<16xi32>
        %lt3A_299 = arith.constant 7680 : i32
        %lt3A_300 = vector.broadcast %lt3A_299 : i32 to vector<16xi32>
        %lt3A_301 = arith.cmpi slt, %sub3A_295, %lt3A_300 : vector<16xi32>
        %and3A_302 = arith.andi %ge3A_298, %lt3A_301 : vector<16xi1>
        %jit3A_303 = arith.constant 0 : i32
        %broadcast_in_dim3A_304 = vector.broadcast %jit3A_303 : i32 to vector<16xi32>
        %select_n3A_305 = arith.select %and3A_302, %sub3A_295, %broadcast_in_dim3A_304 : vector<16xi1>, vector<16xi32>
        %mul3A_306 = arith.constant 16 : i32
        %mul3A_307 = arith.muli %add3A_289, %mul3A_306 : i32
        %get3A_308 = arith.index_cast %mul3A_307 : i32 to index
        %get3A_309 = tpu.vector_load %arg7[%get3A_308] {strides = array<i32>} : memref<1280xf32, #tpu.memory_space<vmem>>, vector<16xf32>,
        %mul3A_310 = arith.constant 16 : i32
        %mul3A_311 = vector.broadcast %mul3A_310 : i32 to vector<16xi32>
        %mul3A_312 = arith.muli %sub3A_295, %mul3A_311 : vector<16xi32>
        %add3A_313 = arith.addi %mul3A_312, %iota3A : vector<16xi32>
        %add3A_314 = arith.constant 122880 : i32
        %add3A_315 = vector.broadcast %add3A_314 : i32 to vector<16xi32>
        %add3A_316 = arith.addi %add3A_315, %iota3A : vector<16xi32>
        %select_n3A_317 = arith.select %and3A_302, %add3A_313, %add3A_316 : vector<16xi1>, vector<16xi32>
        %masked_sort3A_318 = arith.constant dense<true> : vector<16xi1>
        %masked_sort3A_319 = arith.constant -2147483648 : i32
        %masked_sort3A_320 = vector.broadcast %masked_sort3A_319 : i32 to vector<16xi32>
        %masked_sort3A_321 = arith.xori %select_n3A_317, %masked_sort3A_320 : vector<16xi32>
        %masked_sort3A_322, %masked_sort3A_323, %masked_sort3A_324 = tpu.sort %masked_sort3A_321, %get3A_309 masked %masked_sort3A_318 : (vector<16xi32>, vector<16xf32>, vector<16xi1>) -> (vector<16xi1>, vector<16xi32>, vector<16xf32>)
        %masked_sort3A_325 = arith.xori %masked_sort3A_323, %masked_sort3A_320 : vector<16xi32>
        %swap3A_326 = arith.constant 0 : index
        %swap3A_327 = tpu.vector_load %arg14[%swap3A_326] {strides = array<i32>} : memref<32xi32, #tpu.memory_space<vmem>>, vector<16xi32>,
        tpu.vector_store %arg14[%swap3A_326], %masked_sort3A_325 {strides = array<i32>} : memref<32xi32, #tpu.memory_space<vmem>>, vector<16xi32>,
        %get3A_328 = arith.constant 1 : index
        %get3A_329 = tpu.vector_load %arg14[%get3A_328] {strides = array<i32>} : memref<32xi32, #tpu.memory_space<vmem>>, vector<16xi32>,
        %shift_right_arithmetic3A_330 = arith.constant 4 : i32
        %shift_right_arithmetic3A_331 = vector.broadcast %shift_right_arithmetic3A_330 : i32 to vector<16xi32>
        %shift_right_arithmetic3A_332 = arith.shrsi %masked_sort3A_325, %shift_right_arithmetic3A_331 : vector<16xi32>
        %shift_right_arithmetic3A_333 = arith.constant 4 : i32
        %shift_right_arithmetic3A_334 = vector.broadcast %shift_right_arithmetic3A_333 : i32 to vector<16xi32>
        %shift_right_arithmetic3A_335 = arith.shrsi %get3A_329, %shift_right_arithmetic3A_334 : vector<16xi32>
        %ne3A_336 = arith.cmpi ne, %shift_right_arithmetic3A_332, %shift_right_arithmetic3A_335 : vector<16xi32>
        %lt3A_337 = arith.constant 122880 : i32
        %lt3A_338 = vector.broadcast %lt3A_337 : i32 to vector<16xi32>
        %lt3A_339 = arith.cmpi slt, %masked_sort3A_325, %lt3A_338 : vector<16xi32>
        %and3A_340 = arith.andi %ne3A_336, %lt3A_339 : vector<16xi1>
        %lt3A_341 = arith.constant 122880 : i32
        %lt3A_342 = vector.broadcast %lt3A_341 : i32 to vector<16xi32>
        %lt3A_343 = arith.cmpi slt, %masked_sort3A_325, %lt3A_342 : vector<16xi32>
        %shift_right_arithmetic3A_344 = arith.constant 4 : i32
        %shift_right_arithmetic3A_345 = vector.broadcast %shift_right_arithmetic3A_344 : i32 to vector<16xi32>
        %shift_right_arithmetic3A_346 = arith.shrsi %masked_sort3A_325, %shift_right_arithmetic3A_345 : vector<16xi32>
        %add3A_347 = arith.constant 64 : i32
        %add3A_348 = vector.broadcast %add3A_347 : i32 to vector<16xi32>
        %add3A_349 = arith.addi %shift_right_arithmetic3A_346, %add3A_348 : vector<16xi32>
        %jit3A_350 = arith.constant 0 : i32
        %broadcast_in_dim3A_351 = vector.broadcast %jit3A_350 : i32 to vector<16xi32>
        %select_n3A_352 = arith.select %lt3A_343, %add3A_349, %broadcast_in_dim3A_351 : vector<16xi1>, vector<16xi32>
        tpu.vector_store_idx %arg8[%select_n3A_352], %masked_sort3A_324 masked %and3A_340 : memref<7808xf32, #tpu.memory_space<vmem>>[vector<16xi32>], vector<16xf32>, vector<16xi1>
        %add3A_353 = arith.constant 69120 : i32
        %add3A_354 = vector.broadcast %add3A_353 : i32 to vector<16xi32>
        %add3A_355 = arith.addi %add3A_354, %select_n3A_305 : vector<16xi32>
        tpu.vector_store_idx %arg9[%add3A_355], %broadcast_in_dim3A_5 masked %and3A_302 : memref<76800xf32, #tpu.memory_space<vmem>>[vector<16xi32>], vector<16xf32>, vector<16xi1>
      }
      %scan3A_84 = arith.constant 20 : i32
    }
    %scan3A_37 = arith.constant 30 : i32
    %scan3A_38 = arith.constant 0 : i32
    %scan3A_39 = arith.constant 0 : i32
    %scan3A_40 = arith.constant 480 : i32
    %scan3A_41 = arith.addi %scan3A_39, %scan3A_40 : i32
    %scan3A_42 = arith.constant 1 : i32
    scf.for %scan3A_74 = %scan3A_39 to %scan3A_41 step %scan3A_42  : i32 {
      %mul3A_75 = arith.constant 16 : i32
      %mul3A_76 = arith.muli %scan3A_74, %mul3A_75 : i32
      %add3A_77 = arith.constant 64 : i32
      %add3A_78 = arith.addi %add3A_77, %mul3A_76 : i32
      %add3A_79 = arith.constant -33 : i32
      %add3A_80 = arith.addi %add3A_78, %add3A_79 : i32
      %get3A = arith.index_cast %add3A_80 : i32 to index
      %get3A_81 = tpu.vector_load %arg8[%get3A] {strides = array<i32>} : memref<7808xf32, #tpu.memory_space<vmem>>, vector<16xf32>,
      %mul3A_82 = arith.constant 16 : i32
      %mul3A_83 = arith.muli %scan3A_74, %mul3A_82 : i32
      %add3A_84 = arith.constant 0 : i32
      %add3A_85 = arith.addi %add3A_84, %mul3A_83 : i32
      %swap3A_86 = arith.index_cast %add3A_85 : i32 to index
      %swap3A_87 = tpu.vector_load %arg9[%swap3A_86] {strides = array<i32>} : memref<76800xf32, #tpu.memory_space<vmem>>, vector<16xf32>,
      tpu.vector_store %arg9[%swap3A_86], %get3A_81 {strides = array<i32>} : memref<76800xf32, #tpu.memory_space<vmem>>, vector<16xf32>,
      %mul3A_88 = arith.constant 16 : i32
      %mul3A_89 = arith.muli %scan3A_74, %mul3A_88 : i32
      %add3A_90 = arith.constant 64 : i32
      %add3A_91 = arith.addi %add3A_90, %mul3A_89 : i32
      %add3A_92 = arith.constant -32 : i32
      %add3A_93 = arith.addi %add3A_91, %add3A_92 : i32
      %get3A_94 = arith.index_cast %add3A_93 : i32 to index
      %get3A_95 = tpu.vector_load %arg8[%get3A_94] {strides = array<i32>} : memref<7808xf32, #tpu.memory_space<vmem>>, vector<16xf32>,
      %mul3A_96 = arith.constant 16 : i32
      %mul3A_97 = arith.muli %scan3A_74, %mul3A_96 : i32
      %add3A_98 = arith.constant 7680 : i32
      %add3A_99 = arith.addi %add3A_98, %mul3A_97 : i32
      %swap3A_100 = arith.index_cast %add3A_99 : i32 to index
      %swap3A_101 = tpu.vector_load %arg9[%swap3A_100] {strides = array<i32>} : memref<76800xf32, #tpu.memory_space<vmem>>, vector<16xf32>,
      tpu.vector_store %arg9[%swap3A_100], %get3A_95 {strides = array<i32>} : memref<76800xf32, #tpu.memory_space<vmem>>, vector<16xf32>,
      %mul3A_102 = arith.constant 16 : i32
      %mul3A_103 = arith.muli %scan3A_74, %mul3A_102 : i32
      %add3A_104 = arith.constant 64 : i32
      %add3A_105 = arith.addi %add3A_104, %mul3A_103 : i32
      %add3A_106 = arith.constant -31 : i32
      %add3A_107 = arith.addi %add3A_105, %add3A_106 : i32
      %get3A_108 = arith.index_cast %add3A_107 : i32 to index
      %get3A_109 = tpu.vector_load %arg8[%get3A_108] {strides = array<i32>} : memref<7808xf32, #tpu.memory_space<vmem>>, vector<16xf32>,
      %mul3A_110 = arith.constant 16 : i32
      %mul3A_111 = arith.muli %scan3A_74, %mul3A_110 : i32
      %add3A_112 = arith.constant 15360 : i32
      %add3A_113 = arith.addi %add3A_112, %mul3A_111 : i32
      %swap3A_114 = arith.index_cast %add3A_113 : i32 to index
      %swap3A_115 = tpu.vector_load %arg9[%swap3A_114] {strides = array<i32>} : memref<76800xf32, #tpu.memory_space<vmem>>, vector<16xf32>,
      tpu.vector_store %arg9[%swap3A_114], %get3A_109 {strides = array<i32>} : memref<76800xf32, #tpu.memory_space<vmem>>, vector<16xf32>,
      %mul3A_116 = arith.constant 16 : i32
      %mul3A_117 = arith.muli %scan3A_74, %mul3A_116 : i32
      %add3A_118 = arith.constant 64 : i32
      %add3A_119 = arith.addi %add3A_118, %mul3A_117 : i32
      %add3A_120 = arith.constant -1 : i32
      %add3A_121 = arith.addi %add3A_119, %add3A_120 : i32
      %get3A_122 = arith.index_cast %add3A_121 : i32 to index
      %get3A_123 = tpu.vector_load %arg8[%get3A_122] {strides = array<i32>} : memref<7808xf32, #tpu.memory_space<vmem>>, vector<16xf32>,
      %mul3A_124 = arith.constant 16 : i32
      %mul3A_125 = arith.muli %scan3A_74, %mul3A_124 : i32
      %add3A_126 = arith.constant 23040 : i32
      %add3A_127 = arith.addi %add3A_126, %mul3A_125 : i32
      %swap3A_128 = arith.index_cast %add3A_127 : i32 to index
      %swap3A_129 = tpu.vector_load %arg9[%swap3A_128] {strides = array<i32>} : memref<76800xf32, #tpu.memory_space<vmem>>, vector<16xf32>,
      tpu.vector_store %arg9[%swap3A_128], %get3A_123 {strides = array<i32>} : memref<76800xf32, #tpu.memory_space<vmem>>, vector<16xf32>,
      %mul3A_130 = arith.constant 16 : i32
      %mul3A_131 = arith.muli %scan3A_74, %mul3A_130 : i32
      %add3A_132 = arith.constant 64 : i32
      %add3A_133 = arith.addi %add3A_132, %mul3A_131 : i32
      %add3A_134 = arith.constant 1 : i32
      %add3A_135 = arith.addi %add3A_133, %add3A_134 : i32
      %get3A_136 = arith.index_cast %add3A_135 : i32 to index
      %get3A_137 = tpu.vector_load %arg8[%get3A_136] {strides = array<i32>} : memref<7808xf32, #tpu.memory_space<vmem>>, vector<16xf32>,
      %mul3A_138 = arith.constant 16 : i32
      %mul3A_139 = arith.muli %scan3A_74, %mul3A_138 : i32
      %add3A_140 = arith.constant 38400 : i32
      %add3A_141 = arith.addi %add3A_140, %mul3A_139 : i32
      %swap3A_142 = arith.index_cast %add3A_141 : i32 to index
      %swap3A_143 = tpu.vector_load %arg9[%swap3A_142] {strides = array<i32>} : memref<76800xf32, #tpu.memory_space<vmem>>, vector<16xf32>,
      tpu.vector_store %arg9[%swap3A_142], %get3A_137 {strides = array<i32>} : memref<76800xf32, #tpu.memory_space<vmem>>, vector<16xf32>,
      %mul3A_144 = arith.constant 16 : i32
      %mul3A_145 = arith.muli %scan3A_74, %mul3A_144 : i32
      %add3A_146 = arith.constant 64 : i32
      %add3A_147 = arith.addi %add3A_146, %mul3A_145 : i32
      %add3A_148 = arith.constant 31 : i32
      %add3A_149 = arith.addi %add3A_147, %add3A_148 : i32
      %get3A_150 = arith.index_cast %add3A_149 : i32 to index
      %get3A_151 = tpu.vector_load %arg8[%get3A_150] {strides = array<i32>} : memref<7808xf32, #tpu.memory_space<vmem>>, vector<16xf32>,
      %mul3A_152 = arith.constant 16 : i32
      %mul3A_153 = arith.muli %scan3A_74, %mul3A_152 : i32
      %add3A_154 = arith.constant 46080 : i32
      %add3A_155 = arith.addi %add3A_154, %mul3A_153 : i32
      %swap3A_156 = arith.index_cast %add3A_155 : i32 to index
      %swap3A_157 = tpu.vector_load %arg9[%swap3A_156] {strides = array<i32>} : memref<76800xf32, #tpu.memory_space<vmem>>, vector<16xf32>,
      tpu.vector_store %arg9[%swap3A_156], %get3A_151 {strides = array<i32>} : memref<76800xf32, #tpu.memory_space<vmem>>, vector<16xf32>,
      %mul3A_158 = arith.constant 16 : i32
      %mul3A_159 = arith.muli %scan3A_74, %mul3A_158 : i32
      %add3A_160 = arith.constant 64 : i32
      %add3A_161 = arith.addi %add3A_160, %mul3A_159 : i32
      %add3A_162 = arith.constant 32 : i32
      %add3A_163 = arith.addi %add3A_161, %add3A_162 : i32
      %get3A_164 = arith.index_cast %add3A_163 : i32 to index
      %get3A_165 = tpu.vector_load %arg8[%get3A_164] {strides = array<i32>} : memref<7808xf32, #tpu.memory_space<vmem>>, vector<16xf32>,
      %mul3A_166 = arith.constant 16 : i32
      %mul3A_167 = arith.muli %scan3A_74, %mul3A_166 : i32
      %add3A_168 = arith.constant 53760 : i32
      %add3A_169 = arith.addi %add3A_168, %mul3A_167 : i32
      %swap3A_170 = arith.index_cast %add3A_169 : i32 to index
      %swap3A_171 = tpu.vector_load %arg9[%swap3A_170] {strides = array<i32>} : memref<76800xf32, #tpu.memory_space<vmem>>, vector<16xf32>,
      tpu.vector_store %arg9[%swap3A_170], %get3A_165 {strides = array<i32>} : memref<76800xf32, #tpu.memory_space<vmem>>, vector<16xf32>,
      %mul3A_172 = arith.constant 16 : i32
      %mul3A_173 = arith.muli %scan3A_74, %mul3A_172 : i32
      %add3A_174 = arith.constant 64 : i32
      %add3A_175 = arith.addi %add3A_174, %mul3A_173 : i32
      %add3A_176 = arith.constant 33 : i32
      %add3A_177 = arith.addi %add3A_175, %add3A_176 : i32
      %get3A_178 = arith.index_cast %add3A_177 : i32 to index
      %get3A_179 = tpu.vector_load %arg8[%get3A_178] {strides = array<i32>} : memref<7808xf32, #tpu.memory_space<vmem>>, vector<16xf32>,
      %mul3A_180 = arith.constant 16 : i32
      %mul3A_181 = arith.muli %scan3A_74, %mul3A_180 : i32
      %add3A_182 = arith.constant 61440 : i32
      %add3A_183 = arith.addi %add3A_182, %mul3A_181 : i32
      %swap3A_184 = arith.index_cast %add3A_183 : i32 to index
      %swap3A_185 = tpu.vector_load %arg9[%swap3A_184] {strides = array<i32>} : memref<76800xf32, #tpu.memory_space<vmem>>, vector<16xf32>,
      tpu.vector_store %arg9[%swap3A_184], %get3A_179 {strides = array<i32>} : memref<76800xf32, #tpu.memory_space<vmem>>, vector<16xf32>,
    }
    %scan3A_43 = arith.constant 480 : i32
    %scan3A_44 = arith.constant 0 : i32
    %scan3A_45 = arith.constant 0 : i32
    %scan3A_46 = arith.constant 98 : i32
    %scan3A_47 = arith.addi %scan3A_45, %scan3A_46 : i32
    %scan3A_48 = arith.constant 1 : i32
    scf.for %scan3A_74 = %scan3A_45 to %scan3A_47 step %scan3A_48  : i32 {
      %mul3A_75 = arith.constant 16 : i32
      %mul3A_76 = arith.muli %scan3A_74, %mul3A_75 : i32
      %add3A_77 = vector.broadcast %mul3A_76 : i32 to vector<16xi32>
      %add3A_78 = arith.addi %add3A_77, %iota3A : vector<16xi32>
      %jit3A = arith.constant 196 : i32
      %div3A = vector.broadcast %jit3A : i32 to vector<16xi32>
      %div3A_79 = arith.divsi %add3A_78, %div3A : vector<16xi32>
      %sign3A = arith.constant 0 : i32
      %sign3A_80 = vector.broadcast %sign3A : i32 to vector<16xi32>
      %sign3A_81 = arith.cmpi sgt, %add3A_78, %sign3A_80 : vector<16xi32>
      %sign3A_82 = arith.extui %sign3A_81 : vector<16xi1> to vector<16xi32>
      %sign3A_83 = arith.constant 0 : i32
      %sign3A_84 = vector.broadcast %sign3A_83 : i32 to vector<16xi32>
      %sign3A_85 = arith.cmpi slt, %add3A_78, %sign3A_84 : vector<16xi32>
      %sign3A_86 = arith.extui %sign3A_85 : vector<16xi1> to vector<16xi32>
      %sign3A_87 = arith.subi %sign3A_82, %sign3A_86 : vector<16xi32>
      %sign3A_88 = arith.constant 0 : i32
      %sign3A_89 = arith.cmpi sgt, %jit3A, %sign3A_88 : i32
      %sign3A_90 = arith.extui %sign3A_89 : i1 to i32
      %sign3A_91 = arith.constant 0 : i32
      %sign3A_92 = arith.cmpi slt, %jit3A, %sign3A_91 : i32
      %sign3A_93 = arith.extui %sign3A_92 : i1 to i32
      %sign3A_94 = arith.subi %sign3A_90, %sign3A_93 : i32
      %ne3A = vector.broadcast %sign3A_94 : i32 to vector<16xi32>
      %ne3A_95 = arith.cmpi ne, %sign3A_87, %ne3A : vector<16xi32>
      %rem3A = vector.broadcast %jit3A : i32 to vector<16xi32>
      %rem3A_96 = arith.remsi %add3A_78, %rem3A : vector<16xi32>
      %ne3A_97 = arith.constant 0 : i32
      %ne3A_98 = vector.broadcast %ne3A_97 : i32 to vector<16xi32>
      %ne3A_99 = arith.cmpi ne, %rem3A_96, %ne3A_98 : vector<16xi32>
      %and3A = arith.andi %ne3A_95, %ne3A_99 : vector<16xi1>
      %sub3A = arith.constant 1 : i32
      %sub3A_100 = vector.broadcast %sub3A : i32 to vector<16xi32>
      %sub3A_101 = arith.subi %div3A_79, %sub3A_100 : vector<16xi32>
      %select_n3A = arith.select %and3A, %sub3A_101, %div3A_79 : vector<16xi1>, vector<16xi32>
      %jit3A_102 = arith.constant 196 : i32
      %eq3A = arith.constant 0 : i32
      %eq3A_103 = arith.cmpi eq, %jit3A_102, %eq3A : i32
      %jit3A_104 = arith.constant 1 : i32
      %select_n3A_105 = arith.select %eq3A_103, %jit3A_104, %jit3A_102 : i32
      %rem3A_106 = vector.broadcast %select_n3A_105 : i32 to vector<16xi32>
      %rem3A_107 = arith.remsi %add3A_78, %rem3A_106 : vector<16xi32>
      %ne3A_108 = arith.constant 0 : i32
      %ne3A_109 = vector.broadcast %ne3A_108 : i32 to vector<16xi32>
      %ne3A_110 = arith.cmpi ne, %rem3A_107, %ne3A_109 : vector<16xi32>
      %lt3A = arith.constant 0 : i32
      %lt3A_111 = vector.broadcast %lt3A : i32 to vector<16xi32>
      %lt3A_112 = arith.cmpi slt, %rem3A_107, %lt3A_111 : vector<16xi32>
      %lt3A_113 = arith.constant 0 : i32
      %lt3A_114 = arith.cmpi slt, %select_n3A_105, %lt3A_113 : i32
      %ne3A_115 = vector.broadcast %lt3A_114 : i1 to vector<16xi1>
      %ne3A_116 = vector.broadcast %ne3A_115 : vector<16xi1> to vector<16xi1>
      %ne3A_117 = arith.xori %lt3A_112, %ne3A_116 : vector<16xi1>
      %and3A_118 = arith.andi %ne3A_117, %ne3A_110 : vector<16xi1>
      %add3A_119 = vector.broadcast %select_n3A_105 : i32 to vector<16xi32>
      %add3A_120 = arith.addi %rem3A_107, %add3A_119 : vector<16xi32>
      %select_n3A_121 = arith.select %and3A_118, %add3A_120, %rem3A_107 : vector<16xi1>, vector<16xi32>
      %jit3A_122 = arith.constant 14 : i32
      %div3A_123 = vector.broadcast %jit3A_122 : i32 to vector<16xi32>
      %div3A_124 = arith.divsi %select_n3A_121, %div3A_123 : vector<16xi32>
      %sign3A_125 = arith.constant 0 : i32
      %sign3A_126 = vector.broadcast %sign3A_125 : i32 to vector<16xi32>
      %sign3A_127 = arith.cmpi sgt, %select_n3A_121, %sign3A_126 : vector<16xi32>
      %sign3A_128 = arith.extui %sign3A_127 : vector<16xi1> to vector<16xi32>
      %sign3A_129 = arith.constant 0 : i32
      %sign3A_130 = vector.broadcast %sign3A_129 : i32 to vector<16xi32>
      %sign3A_131 = arith.cmpi slt, %select_n3A_121, %sign3A_130 : vector<16xi32>
      %sign3A_132 = arith.extui %sign3A_131 : vector<16xi1> to vector<16xi32>
      %sign3A_133 = arith.subi %sign3A_128, %sign3A_132 : vector<16xi32>
      %sign3A_134 = arith.constant 0 : i32
      %sign3A_135 = arith.cmpi sgt, %jit3A_122, %sign3A_134 : i32
      %sign3A_136 = arith.extui %sign3A_135 : i1 to i32
      %sign3A_137 = arith.constant 0 : i32
      %sign3A_138 = arith.cmpi slt, %jit3A_122, %sign3A_137 : i32
      %sign3A_139 = arith.extui %sign3A_138 : i1 to i32
      %sign3A_140 = arith.subi %sign3A_136, %sign3A_139 : i32
      %ne3A_141 = vector.broadcast %sign3A_140 : i32 to vector<16xi32>
      %ne3A_142 = arith.cmpi ne, %sign3A_133, %ne3A_141 : vector<16xi32>
      %rem3A_143 = vector.broadcast %jit3A_122 : i32 to vector<16xi32>
      %rem3A_144 = arith.remsi %select_n3A_121, %rem3A_143 : vector<16xi32>
      %ne3A_145 = arith.constant 0 : i32
      %ne3A_146 = vector.broadcast %ne3A_145 : i32 to vector<16xi32>
      %ne3A_147 = arith.cmpi ne, %rem3A_144, %ne3A_146 : vector<16xi32>
      %and3A_148 = arith.andi %ne3A_142, %ne3A_147 : vector<16xi1>
      %sub3A_149 = arith.constant 1 : i32
      %sub3A_150 = vector.broadcast %sub3A_149 : i32 to vector<16xi32>
      %sub3A_151 = arith.subi %div3A_124, %sub3A_150 : vector<16xi32>
      %select_n3A_152 = arith.select %and3A_148, %sub3A_151, %div3A_124 : vector<16xi1>, vector<16xi32>
      %jit3A_153 = arith.constant 14 : i32
      %eq3A_154 = arith.constant 0 : i32
      %eq3A_155 = arith.cmpi eq, %jit3A_153, %eq3A_154 : i32
      %jit3A_156 = arith.constant 1 : i32
      %select_n3A_157 = arith.select %eq3A_155, %jit3A_156, %jit3A_153 : i32
      %rem3A_158 = vector.broadcast %select_n3A_157 : i32 to vector<16xi32>
      %rem3A_159 = arith.remsi %select_n3A_121, %rem3A_158 : vector<16xi32>
      %ne3A_160 = arith.constant 0 : i32
      %ne3A_161 = vector.broadcast %ne3A_160 : i32 to vector<16xi32>
      %ne3A_162 = arith.cmpi ne, %rem3A_159, %ne3A_161 : vector<16xi32>
      %lt3A_163 = arith.constant 0 : i32
      %lt3A_164 = vector.broadcast %lt3A_163 : i32 to vector<16xi32>
      %lt3A_165 = arith.cmpi slt, %rem3A_159, %lt3A_164 : vector<16xi32>
      %lt3A_166 = arith.constant 0 : i32
      %lt3A_167 = arith.cmpi slt, %select_n3A_157, %lt3A_166 : i32
      %ne3A_168 = vector.broadcast %lt3A_167 : i1 to vector<16xi1>
      %ne3A_169 = vector.broadcast %ne3A_168 : vector<16xi1> to vector<16xi1>
      %ne3A_170 = arith.xori %lt3A_165, %ne3A_169 : vector<16xi1>
      %and3A_171 = arith.andi %ne3A_170, %ne3A_162 : vector<16xi1>
      %add3A_172 = vector.broadcast %select_n3A_157 : i32 to vector<16xi32>
      %add3A_173 = arith.addi %rem3A_159, %add3A_172 : vector<16xi32>
      %select_n3A_174 = arith.select %and3A_171, %add3A_173, %rem3A_159 : vector<16xi1>, vector<16xi32>
      %mul3A_175 = arith.constant 960 : i32
      %mul3A_176 = vector.broadcast %mul3A_175 : i32 to vector<16xi32>
      %mul3A_177 = arith.muli %select_n3A, %mul3A_176 : vector<16xi32>
      %add3A_178 = arith.constant 69120 : i32
      %add3A_179 = vector.broadcast %add3A_178 : i32 to vector<16xi32>
      %add3A_180 = arith.addi %add3A_179, %mul3A_177 : vector<16xi32>
      %mul3A_181 = arith.constant 2 : i32
      %mul3A_182 = vector.broadcast %mul3A_181 : i32 to vector<16xi32>
      %mul3A_183 = arith.muli %mul3A_182, %select_n3A_152 : vector<16xi32>
      %add3A_184 = arith.constant 1 : i32
      %add3A_185 = vector.broadcast %add3A_184 : i32 to vector<16xi32>
      %add3A_186 = arith.addi %mul3A_183, %add3A_185 : vector<16xi32>
      %mul3A_187 = arith.constant 32 : i32
      %mul3A_188 = vector.broadcast %mul3A_187 : i32 to vector<16xi32>
      %mul3A_189 = arith.muli %add3A_186, %mul3A_188 : vector<16xi32>
      %add3A_190 = arith.addi %add3A_180, %mul3A_189 : vector<16xi32>
      %mul3A_191 = arith.constant 2 : i32
      %mul3A_192 = vector.broadcast %mul3A_191 : i32 to vector<16xi32>
      %mul3A_193 = arith.muli %mul3A_192, %select_n3A_174 : vector<16xi32>
      %add3A_194 = arith.constant 1 : i32
      %add3A_195 = vector.broadcast %add3A_194 : i32 to vector<16xi32>
      %add3A_196 = arith.addi %mul3A_193, %add3A_195 : vector<16xi32>
      %add3A_197 = arith.addi %add3A_190, %add3A_196 : vector<16xi32>
      %gather3A = tpu.vector_load_idx %arg9[%add3A_197] : memref<76800xf32, #tpu.memory_space<vmem>>[vector<16xi32>], vector<16xf32>,
      %add3A_198 = arith.constant 1 : i32
      %add3A_199 = vector.broadcast %add3A_198 : i32 to vector<16xi32>
      %add3A_200 = arith.addi %add3A_197, %add3A_199 : vector<16xi32>
      %gather3A_201 = tpu.vector_load_idx %arg9[%add3A_200] : memref<76800xf32, #tpu.memory_space<vmem>>[vector<16xi32>], vector<16xf32>,
      %add3A_202 = arith.constant 32 : i32
      %add3A_203 = vector.broadcast %add3A_202 : i32 to vector<16xi32>
      %add3A_204 = arith.addi %add3A_197, %add3A_203 : vector<16xi32>
      %gather3A_205 = tpu.vector_load_idx %arg9[%add3A_204] : memref<76800xf32, #tpu.memory_space<vmem>>[vector<16xi32>], vector<16xf32>,
      %add3A_206 = arith.constant 32 : i32
      %add3A_207 = vector.broadcast %add3A_206 : i32 to vector<16xi32>
      %add3A_208 = arith.addi %add3A_197, %add3A_207 : vector<16xi32>
      %add3A_209 = arith.constant 1 : i32
      %add3A_210 = vector.broadcast %add3A_209 : i32 to vector<16xi32>
      %add3A_211 = arith.addi %add3A_208, %add3A_210 : vector<16xi32>
      %gather3A_212 = tpu.vector_load_idx %arg9[%add3A_211] : memref<76800xf32, #tpu.memory_space<vmem>>[vector<16xi32>], vector<16xf32>,
      %max3A = arith.maximumf %gather3A, %gather3A_201 : vector<16xf32>
      %max3A_213 = arith.maximumf %gather3A_205, %gather3A_212 : vector<16xf32>
      %max3A_214 = arith.maximumf %max3A, %max3A_213 : vector<16xf32>
      %mul3A_215 = arith.constant 16 : i32
      %mul3A_216 = arith.muli %scan3A_74, %mul3A_215 : i32
      %swap3A_217 = arith.index_cast %mul3A_216 : i32 to index
      %swap3A_218 = tpu.vector_load %arg10[%swap3A_217] {strides = array<i32>} : memref<1568xf32, #tpu.memory_space<vmem>>, vector<16xf32>,
      tpu.vector_store %arg10[%swap3A_217], %max3A_214 {strides = array<i32>} : memref<1568xf32, #tpu.memory_space<vmem>>, vector<16xf32>,
    }
    %scan3A_49 = arith.constant 98 : i32
    %add3A_50 = arith.constant 0 : i32
    %add3A_51 = arith.addi %add3A_50, %mul3A_2 : i32
    "tpu.region"() ({
      %run_scoped3A = tpu.sem_alloc : memref<!tpu.dma_semaphore, #tpu.memory_space<semaphore_mem>>
      %dma_start3A = arith.constant 0 : i32
      %dma_start3A_74 = tpu.memref_slice %arg9[%dma_start3A] : memref<76800xf32, #tpu.memory_space<vmem>> -> memref<7680xf32, #tpu.memory_space<vmem>>
      %dma_start3A_75 = tpu.memref_slice %arg4[%add3A_51] : memref<2457600xf32, #tpu.memory_space<hbm>> -> memref<7680xf32, #tpu.memory_space<hbm>>
      %dma_start3A_76 = tpu.memref_slice %arg4[%add3A_51] : memref<2457600xf32, #tpu.memory_space<hbm>> -> memref<7680xf32, #tpu.memory_space<hbm>>
      %dma_start3A_77 = arith.constant 0 : i32
      %dma_start3A_78 = tpu.memref_slice %arg9[%dma_start3A_77] : memref<76800xf32, #tpu.memory_space<vmem>> -> memref<7680xf32, #tpu.memory_space<vmem>>
      tpu.enqueue_dma source(%dma_start3A_78 : memref<7680xf32, #tpu.memory_space<vmem>>) target(%dma_start3A_76 : memref<7680xf32, #tpu.memory_space<hbm>>) target_semaphore(%run_scoped3A : memref<!tpu.dma_semaphore, #tpu.memory_space<semaphore_mem>>)
      %dma_wait3A = arith.constant 0 : i32
      %dma_wait3A_79 = tpu.memref_slice %arg9[%dma_wait3A] : memref<76800xf32, #tpu.memory_space<vmem>> -> memref<7680xf32, #tpu.memory_space<vmem>>
      %dma_wait3A_80 = tpu.memref_slice %arg4[%add3A_51] : memref<2457600xf32, #tpu.memory_space<hbm>> -> memref<7680xf32, #tpu.memory_space<hbm>>
      %dma_wait3A_81 = tpu.memref_slice %arg4[%add3A_51] : memref<2457600xf32, #tpu.memory_space<hbm>> -> memref<7680xf32, #tpu.memory_space<hbm>>
      %dma_wait3A_82 = arith.constant 0 : i32
      %dma_wait3A_83 = tpu.memref_slice %arg9[%dma_wait3A_82] : memref<76800xf32, #tpu.memory_space<vmem>> -> memref<7680xf32, #tpu.memory_space<vmem>>
      tpu.wait_dma2 semaphore(%run_scoped3A : memref<!tpu.dma_semaphore, #tpu.memory_space<semaphore_mem>>) src(%dma_wait3A_83 : memref<7680xf32, #tpu.memory_space<vmem>>) dst(%dma_wait3A_81 : memref<7680xf32, #tpu.memory_space<hbm>>)
      tpu.yield
    }) : () -> ()
    %add3A_52 = arith.constant 245760 : i32
    %add3A_53 = arith.addi %add3A_52, %mul3A_2 : i32
    "tpu.region"() ({
      %run_scoped3A = tpu.sem_alloc : memref<!tpu.dma_semaphore, #tpu.memory_space<semaphore_mem>>
      %dma_start3A = arith.constant 7680 : i32
      %dma_start3A_74 = tpu.memref_slice %arg9[%dma_start3A] : memref<76800xf32, #tpu.memory_space<vmem>> -> memref<7680xf32, #tpu.memory_space<vmem>>
      %dma_start3A_75 = tpu.memref_slice %arg4[%add3A_53] : memref<2457600xf32, #tpu.memory_space<hbm>> -> memref<7680xf32, #tpu.memory_space<hbm>>
      %dma_start3A_76 = tpu.memref_slice %arg4[%add3A_53] : memref<2457600xf32, #tpu.memory_space<hbm>> -> memref<7680xf32, #tpu.memory_space<hbm>>
      %dma_start3A_77 = arith.constant 7680 : i32
      %dma_start3A_78 = tpu.memref_slice %arg9[%dma_start3A_77] : memref<76800xf32, #tpu.memory_space<vmem>> -> memref<7680xf32, #tpu.memory_space<vmem>>
      tpu.enqueue_dma source(%dma_start3A_78 : memref<7680xf32, #tpu.memory_space<vmem>>) target(%dma_start3A_76 : memref<7680xf32, #tpu.memory_space<hbm>>) target_semaphore(%run_scoped3A : memref<!tpu.dma_semaphore, #tpu.memory_space<semaphore_mem>>)
      %dma_wait3A = arith.constant 7680 : i32
      %dma_wait3A_79 = tpu.memref_slice %arg9[%dma_wait3A] : memref<76800xf32, #tpu.memory_space<vmem>> -> memref<7680xf32, #tpu.memory_space<vmem>>
      %dma_wait3A_80 = tpu.memref_slice %arg4[%add3A_53] : memref<2457600xf32, #tpu.memory_space<hbm>> -> memref<7680xf32, #tpu.memory_space<hbm>>
      %dma_wait3A_81 = tpu.memref_slice %arg4[%add3A_53] : memref<2457600xf32, #tpu.memory_space<hbm>> -> memref<7680xf32, #tpu.memory_space<hbm>>
      %dma_wait3A_82 = arith.constant 7680 : i32
      %dma_wait3A_83 = tpu.memref_slice %arg9[%dma_wait3A_82] : memref<76800xf32, #tpu.memory_space<vmem>> -> memref<7680xf32, #tpu.memory_space<vmem>>
      tpu.wait_dma2 semaphore(%run_scoped3A : memref<!tpu.dma_semaphore, #tpu.memory_space<semaphore_mem>>) src(%dma_wait3A_83 : memref<7680xf32, #tpu.memory_space<vmem>>) dst(%dma_wait3A_81 : memref<7680xf32, #tpu.memory_space<hbm>>)
      tpu.yield
    }) : () -> ()
    %add3A_54 = arith.constant 491520 : i32
    %add3A_55 = arith.addi %add3A_54, %mul3A_2 : i32
    "tpu.region"() ({
      %run_scoped3A = tpu.sem_alloc : memref<!tpu.dma_semaphore, #tpu.memory_space<semaphore_mem>>
      %dma_start3A = arith.constant 15360 : i32
      %dma_start3A_74 = tpu.memref_slice %arg9[%dma_start3A] : memref<76800xf32, #tpu.memory_space<vmem>> -> memref<7680xf32, #tpu.memory_space<vmem>>
      %dma_start3A_75 = tpu.memref_slice %arg4[%add3A_55] : memref<2457600xf32, #tpu.memory_space<hbm>> -> memref<7680xf32, #tpu.memory_space<hbm>>
      %dma_start3A_76 = tpu.memref_slice %arg4[%add3A_55] : memref<2457600xf32, #tpu.memory_space<hbm>> -> memref<7680xf32, #tpu.memory_space<hbm>>
      %dma_start3A_77 = arith.constant 15360 : i32
      %dma_start3A_78 = tpu.memref_slice %arg9[%dma_start3A_77] : memref<76800xf32, #tpu.memory_space<vmem>> -> memref<7680xf32, #tpu.memory_space<vmem>>
      tpu.enqueue_dma source(%dma_start3A_78 : memref<7680xf32, #tpu.memory_space<vmem>>) target(%dma_start3A_76 : memref<7680xf32, #tpu.memory_space<hbm>>) target_semaphore(%run_scoped3A : memref<!tpu.dma_semaphore, #tpu.memory_space<semaphore_mem>>)
      %dma_wait3A = arith.constant 15360 : i32
      %dma_wait3A_79 = tpu.memref_slice %arg9[%dma_wait3A] : memref<76800xf32, #tpu.memory_space<vmem>> -> memref<7680xf32, #tpu.memory_space<vmem>>
      %dma_wait3A_80 = tpu.memref_slice %arg4[%add3A_55] : memref<2457600xf32, #tpu.memory_space<hbm>> -> memref<7680xf32, #tpu.memory_space<hbm>>
      %dma_wait3A_81 = tpu.memref_slice %arg4[%add3A_55] : memref<2457600xf32, #tpu.memory_space<hbm>> -> memref<7680xf32, #tpu.memory_space<hbm>>
      %dma_wait3A_82 = arith.constant 15360 : i32
      %dma_wait3A_83 = tpu.memref_slice %arg9[%dma_wait3A_82] : memref<76800xf32, #tpu.memory_space<vmem>> -> memref<7680xf32, #tpu.memory_space<vmem>>
      tpu.wait_dma2 semaphore(%run_scoped3A : memref<!tpu.dma_semaphore, #tpu.memory_space<semaphore_mem>>) src(%dma_wait3A_83 : memref<7680xf32, #tpu.memory_space<vmem>>) dst(%dma_wait3A_81 : memref<7680xf32, #tpu.memory_space<hbm>>)
      tpu.yield
    }) : () -> ()
    %add3A_56 = arith.constant 737280 : i32
    %add3A_57 = arith.addi %add3A_56, %mul3A_2 : i32
    "tpu.region"() ({
      %run_scoped3A = tpu.sem_alloc : memref<!tpu.dma_semaphore, #tpu.memory_space<semaphore_mem>>
      %dma_start3A = arith.constant 23040 : i32
      %dma_start3A_74 = tpu.memref_slice %arg9[%dma_start3A] : memref<76800xf32, #tpu.memory_space<vmem>> -> memref<7680xf32, #tpu.memory_space<vmem>>
      %dma_start3A_75 = tpu.memref_slice %arg4[%add3A_57] : memref<2457600xf32, #tpu.memory_space<hbm>> -> memref<7680xf32, #tpu.memory_space<hbm>>
      %dma_start3A_76 = tpu.memref_slice %arg4[%add3A_57] : memref<2457600xf32, #tpu.memory_space<hbm>> -> memref<7680xf32, #tpu.memory_space<hbm>>
      %dma_start3A_77 = arith.constant 23040 : i32
      %dma_start3A_78 = tpu.memref_slice %arg9[%dma_start3A_77] : memref<76800xf32, #tpu.memory_space<vmem>> -> memref<7680xf32, #tpu.memory_space<vmem>>
      tpu.enqueue_dma source(%dma_start3A_78 : memref<7680xf32, #tpu.memory_space<vmem>>) target(%dma_start3A_76 : memref<7680xf32, #tpu.memory_space<hbm>>) target_semaphore(%run_scoped3A : memref<!tpu.dma_semaphore, #tpu.memory_space<semaphore_mem>>)
      %dma_wait3A = arith.constant 23040 : i32
      %dma_wait3A_79 = tpu.memref_slice %arg9[%dma_wait3A] : memref<76800xf32, #tpu.memory_space<vmem>> -> memref<7680xf32, #tpu.memory_space<vmem>>
      %dma_wait3A_80 = tpu.memref_slice %arg4[%add3A_57] : memref<2457600xf32, #tpu.memory_space<hbm>> -> memref<7680xf32, #tpu.memory_space<hbm>>
      %dma_wait3A_81 = tpu.memref_slice %arg4[%add3A_57] : memref<2457600xf32, #tpu.memory_space<hbm>> -> memref<7680xf32, #tpu.memory_space<hbm>>
      %dma_wait3A_82 = arith.constant 23040 : i32
      %dma_wait3A_83 = tpu.memref_slice %arg9[%dma_wait3A_82] : memref<76800xf32, #tpu.memory_space<vmem>> -> memref<7680xf32, #tpu.memory_space<vmem>>
      tpu.wait_dma2 semaphore(%run_scoped3A : memref<!tpu.dma_semaphore, #tpu.memory_space<semaphore_mem>>) src(%dma_wait3A_83 : memref<7680xf32, #tpu.memory_space<vmem>>) dst(%dma_wait3A_81 : memref<7680xf32, #tpu.memory_space<hbm>>)
      tpu.yield
    }) : () -> ()
    %add3A_58 = arith.constant 983040 : i32
    %add3A_59 = arith.addi %add3A_58, %mul3A_2 : i32
    "tpu.region"() ({
      %run_scoped3A = tpu.sem_alloc : memref<!tpu.dma_semaphore, #tpu.memory_space<semaphore_mem>>
      %dma_start3A = arith.constant 64 : i32
      %dma_start3A_74 = tpu.memref_slice %arg8[%dma_start3A] : memref<7808xf32, #tpu.memory_space<vmem>> -> memref<7680xf32, #tpu.memory_space<vmem>>
      %dma_start3A_75 = tpu.memref_slice %arg4[%add3A_59] : memref<2457600xf32, #tpu.memory_space<hbm>> -> memref<7680xf32, #tpu.memory_space<hbm>>
      %dma_start3A_76 = tpu.memref_slice %arg4[%add3A_59] : memref<2457600xf32, #tpu.memory_space<hbm>> -> memref<7680xf32, #tpu.memory_space<hbm>>
      %dma_start3A_77 = arith.constant 64 : i32
      %dma_start3A_78 = tpu.memref_slice %arg8[%dma_start3A_77] : memref<7808xf32, #tpu.memory_space<vmem>> -> memref<7680xf32, #tpu.memory_space<vmem>>
      tpu.enqueue_dma source(%dma_start3A_78 : memref<7680xf32, #tpu.memory_space<vmem>>) target(%dma_start3A_76 : memref<7680xf32, #tpu.memory_space<hbm>>) target_semaphore(%run_scoped3A : memref<!tpu.dma_semaphore, #tpu.memory_space<semaphore_mem>>)
      %dma_wait3A = arith.constant 64 : i32
      %dma_wait3A_79 = tpu.memref_slice %arg8[%dma_wait3A] : memref<7808xf32, #tpu.memory_space<vmem>> -> memref<7680xf32, #tpu.memory_space<vmem>>
      %dma_wait3A_80 = tpu.memref_slice %arg4[%add3A_59] : memref<2457600xf32, #tpu.memory_space<hbm>> -> memref<7680xf32, #tpu.memory_space<hbm>>
      %dma_wait3A_81 = tpu.memref_slice %arg4[%add3A_59] : memref<2457600xf32, #tpu.memory_space<hbm>> -> memref<7680xf32, #tpu.memory_space<hbm>>
      %dma_wait3A_82 = arith.constant 64 : i32
      %dma_wait3A_83 = tpu.memref_slice %arg8[%dma_wait3A_82] : memref<7808xf32, #tpu.memory_space<vmem>> -> memref<7680xf32, #tpu.memory_space<vmem>>
      tpu.wait_dma2 semaphore(%run_scoped3A : memref<!tpu.dma_semaphore, #tpu.memory_space<semaphore_mem>>) src(%dma_wait3A_83 : memref<7680xf32, #tpu.memory_space<vmem>>) dst(%dma_wait3A_81 : memref<7680xf32, #tpu.memory_space<hbm>>)
      tpu.yield
    }) : () -> ()
    %add3A_60 = arith.constant 1228800 : i32
    %add3A_61 = arith.addi %add3A_60, %mul3A_2 : i32
    "tpu.region"() ({
      %run_scoped3A = tpu.sem_alloc : memref<!tpu.dma_semaphore, #tpu.memory_space<semaphore_mem>>
      %dma_start3A = arith.constant 38400 : i32
      %dma_start3A_74 = tpu.memref_slice %arg9[%dma_start3A] : memref<76800xf32, #tpu.memory_space<vmem>> -> memref<7680xf32, #tpu.memory_space<vmem>>
      %dma_start3A_75 = tpu.memref_slice %arg4[%add3A_61] : memref<2457600xf32, #tpu.memory_space<hbm>> -> memref<7680xf32, #tpu.memory_space<hbm>>
      %dma_start3A_76 = tpu.memref_slice %arg4[%add3A_61] : memref<2457600xf32, #tpu.memory_space<hbm>> -> memref<7680xf32, #tpu.memory_space<hbm>>
      %dma_start3A_77 = arith.constant 38400 : i32
      %dma_start3A_78 = tpu.memref_slice %arg9[%dma_start3A_77] : memref<76800xf32, #tpu.memory_space<vmem>> -> memref<7680xf32, #tpu.memory_space<vmem>>
      tpu.enqueue_dma source(%dma_start3A_78 : memref<7680xf32, #tpu.memory_space<vmem>>) target(%dma_start3A_76 : memref<7680xf32, #tpu.memory_space<hbm>>) target_semaphore(%run_scoped3A : memref<!tpu.dma_semaphore, #tpu.memory_space<semaphore_mem>>)
      %dma_wait3A = arith.constant 38400 : i32
      %dma_wait3A_79 = tpu.memref_slice %arg9[%dma_wait3A] : memref<76800xf32, #tpu.memory_space<vmem>> -> memref<7680xf32, #tpu.memory_space<vmem>>
      %dma_wait3A_80 = tpu.memref_slice %arg4[%add3A_61] : memref<2457600xf32, #tpu.memory_space<hbm>> -> memref<7680xf32, #tpu.memory_space<hbm>>
      %dma_wait3A_81 = tpu.memref_slice %arg4[%add3A_61] : memref<2457600xf32, #tpu.memory_space<hbm>> -> memref<7680xf32, #tpu.memory_space<hbm>>
      %dma_wait3A_82 = arith.constant 38400 : i32
      %dma_wait3A_83 = tpu.memref_slice %arg9[%dma_wait3A_82] : memref<76800xf32, #tpu.memory_space<vmem>> -> memref<7680xf32, #tpu.memory_space<vmem>>
      tpu.wait_dma2 semaphore(%run_scoped3A : memref<!tpu.dma_semaphore, #tpu.memory_space<semaphore_mem>>) src(%dma_wait3A_83 : memref<7680xf32, #tpu.memory_space<vmem>>) dst(%dma_wait3A_81 : memref<7680xf32, #tpu.memory_space<hbm>>)
      tpu.yield
    }) : () -> ()
    %add3A_62 = arith.constant 1474560 : i32
    %add3A_63 = arith.addi %add3A_62, %mul3A_2 : i32
    "tpu.region"() ({
      %run_scoped3A = tpu.sem_alloc : memref<!tpu.dma_semaphore, #tpu.memory_space<semaphore_mem>>
      %dma_start3A = arith.constant 46080 : i32
      %dma_start3A_74 = tpu.memref_slice %arg9[%dma_start3A] : memref<76800xf32, #tpu.memory_space<vmem>> -> memref<7680xf32, #tpu.memory_space<vmem>>
      %dma_start3A_75 = tpu.memref_slice %arg4[%add3A_63] : memref<2457600xf32, #tpu.memory_space<hbm>> -> memref<7680xf32, #tpu.memory_space<hbm>>
      %dma_start3A_76 = tpu.memref_slice %arg4[%add3A_63] : memref<2457600xf32, #tpu.memory_space<hbm>> -> memref<7680xf32, #tpu.memory_space<hbm>>
      %dma_start3A_77 = arith.constant 46080 : i32
      %dma_start3A_78 = tpu.memref_slice %arg9[%dma_start3A_77] : memref<76800xf32, #tpu.memory_space<vmem>> -> memref<7680xf32, #tpu.memory_space<vmem>>
      tpu.enqueue_dma source(%dma_start3A_78 : memref<7680xf32, #tpu.memory_space<vmem>>) target(%dma_start3A_76 : memref<7680xf32, #tpu.memory_space<hbm>>) target_semaphore(%run_scoped3A : memref<!tpu.dma_semaphore, #tpu.memory_space<semaphore_mem>>)
      %dma_wait3A = arith.constant 46080 : i32
      %dma_wait3A_79 = tpu.memref_slice %arg9[%dma_wait3A] : memref<76800xf32, #tpu.memory_space<vmem>> -> memref<7680xf32, #tpu.memory_space<vmem>>
      %dma_wait3A_80 = tpu.memref_slice %arg4[%add3A_63] : memref<2457600xf32, #tpu.memory_space<hbm>> -> memref<7680xf32, #tpu.memory_space<hbm>>
      %dma_wait3A_81 = tpu.memref_slice %arg4[%add3A_63] : memref<2457600xf32, #tpu.memory_space<hbm>> -> memref<7680xf32, #tpu.memory_space<hbm>>
      %dma_wait3A_82 = arith.constant 46080 : i32
      %dma_wait3A_83 = tpu.memref_slice %arg9[%dma_wait3A_82] : memref<76800xf32, #tpu.memory_space<vmem>> -> memref<7680xf32, #tpu.memory_space<vmem>>
      tpu.wait_dma2 semaphore(%run_scoped3A : memref<!tpu.dma_semaphore, #tpu.memory_space<semaphore_mem>>) src(%dma_wait3A_83 : memref<7680xf32, #tpu.memory_space<vmem>>) dst(%dma_wait3A_81 : memref<7680xf32, #tpu.memory_space<hbm>>)
      tpu.yield
    }) : () -> ()
    %add3A_64 = arith.constant 1720320 : i32
    %add3A_65 = arith.addi %add3A_64, %mul3A_2 : i32
    "tpu.region"() ({
      %run_scoped3A = tpu.sem_alloc : memref<!tpu.dma_semaphore, #tpu.memory_space<semaphore_mem>>
      %dma_start3A = arith.constant 53760 : i32
      %dma_start3A_74 = tpu.memref_slice %arg9[%dma_start3A] : memref<76800xf32, #tpu.memory_space<vmem>> -> memref<7680xf32, #tpu.memory_space<vmem>>
      %dma_start3A_75 = tpu.memref_slice %arg4[%add3A_65] : memref<2457600xf32, #tpu.memory_space<hbm>> -> memref<7680xf32, #tpu.memory_space<hbm>>
      %dma_start3A_76 = tpu.memref_slice %arg4[%add3A_65] : memref<2457600xf32, #tpu.memory_space<hbm>> -> memref<7680xf32, #tpu.memory_space<hbm>>
      %dma_start3A_77 = arith.constant 53760 : i32
      %dma_start3A_78 = tpu.memref_slice %arg9[%dma_start3A_77] : memref<76800xf32, #tpu.memory_space<vmem>> -> memref<7680xf32, #tpu.memory_space<vmem>>
      tpu.enqueue_dma source(%dma_start3A_78 : memref<7680xf32, #tpu.memory_space<vmem>>) target(%dma_start3A_76 : memref<7680xf32, #tpu.memory_space<hbm>>) target_semaphore(%run_scoped3A : memref<!tpu.dma_semaphore, #tpu.memory_space<semaphore_mem>>)
      %dma_wait3A = arith.constant 53760 : i32
      %dma_wait3A_79 = tpu.memref_slice %arg9[%dma_wait3A] : memref<76800xf32, #tpu.memory_space<vmem>> -> memref<7680xf32, #tpu.memory_space<vmem>>
      %dma_wait3A_80 = tpu.memref_slice %arg4[%add3A_65] : memref<2457600xf32, #tpu.memory_space<hbm>> -> memref<7680xf32, #tpu.memory_space<hbm>>
      %dma_wait3A_81 = tpu.memref_slice %arg4[%add3A_65] : memref<2457600xf32, #tpu.memory_space<hbm>> -> memref<7680xf32, #tpu.memory_space<hbm>>
      %dma_wait3A_82 = arith.constant 53760 : i32
      %dma_wait3A_83 = tpu.memref_slice %arg9[%dma_wait3A_82] : memref<76800xf32, #tpu.memory_space<vmem>> -> memref<7680xf32, #tpu.memory_space<vmem>>
      tpu.wait_dma2 semaphore(%run_scoped3A : memref<!tpu.dma_semaphore, #tpu.memory_space<semaphore_mem>>) src(%dma_wait3A_83 : memref<7680xf32, #tpu.memory_space<vmem>>) dst(%dma_wait3A_81 : memref<7680xf32, #tpu.memory_space<hbm>>)
      tpu.yield
    }) : () -> ()
    %add3A_66 = arith.constant 1966080 : i32
    %add3A_67 = arith.addi %add3A_66, %mul3A_2 : i32
    "tpu.region"() ({
      %run_scoped3A = tpu.sem_alloc : memref<!tpu.dma_semaphore, #tpu.memory_space<semaphore_mem>>
      %dma_start3A = arith.constant 61440 : i32
      %dma_start3A_74 = tpu.memref_slice %arg9[%dma_start3A] : memref<76800xf32, #tpu.memory_space<vmem>> -> memref<7680xf32, #tpu.memory_space<vmem>>
      %dma_start3A_75 = tpu.memref_slice %arg4[%add3A_67] : memref<2457600xf32, #tpu.memory_space<hbm>> -> memref<7680xf32, #tpu.memory_space<hbm>>
      %dma_start3A_76 = tpu.memref_slice %arg4[%add3A_67] : memref<2457600xf32, #tpu.memory_space<hbm>> -> memref<7680xf32, #tpu.memory_space<hbm>>
      %dma_start3A_77 = arith.constant 61440 : i32
      %dma_start3A_78 = tpu.memref_slice %arg9[%dma_start3A_77] : memref<76800xf32, #tpu.memory_space<vmem>> -> memref<7680xf32, #tpu.memory_space<vmem>>
      tpu.enqueue_dma source(%dma_start3A_78 : memref<7680xf32, #tpu.memory_space<vmem>>) target(%dma_start3A_76 : memref<7680xf32, #tpu.memory_space<hbm>>) target_semaphore(%run_scoped3A : memref<!tpu.dma_semaphore, #tpu.memory_space<semaphore_mem>>)
      %dma_wait3A = arith.constant 61440 : i32
      %dma_wait3A_79 = tpu.memref_slice %arg9[%dma_wait3A] : memref<76800xf32, #tpu.memory_space<vmem>> -> memref<7680xf32, #tpu.memory_space<vmem>>
      %dma_wait3A_80 = tpu.memref_slice %arg4[%add3A_67] : memref<2457600xf32, #tpu.memory_space<hbm>> -> memref<7680xf32, #tpu.memory_space<hbm>>
      %dma_wait3A_81 = tpu.memref_slice %arg4[%add3A_67] : memref<2457600xf32, #tpu.memory_space<hbm>> -> memref<7680xf32, #tpu.memory_space<hbm>>
      %dma_wait3A_82 = arith.constant 61440 : i32
      %dma_wait3A_83 = tpu.memref_slice %arg9[%dma_wait3A_82] : memref<76800xf32, #tpu.memory_space<vmem>> -> memref<7680xf32, #tpu.memory_space<vmem>>
      tpu.wait_dma2 semaphore(%run_scoped3A : memref<!tpu.dma_semaphore, #tpu.memory_space<semaphore_mem>>) src(%dma_wait3A_83 : memref<7680xf32, #tpu.memory_space<vmem>>) dst(%dma_wait3A_81 : memref<7680xf32, #tpu.memory_space<hbm>>)
      tpu.yield
    }) : () -> ()
    %add3A_68 = arith.constant 2211840 : i32
    %add3A_69 = arith.addi %add3A_68, %mul3A_2 : i32
    "tpu.region"() ({
      %run_scoped3A = tpu.sem_alloc : memref<!tpu.dma_semaphore, #tpu.memory_space<semaphore_mem>>
      %dma_start3A = arith.constant 69120 : i32
      %dma_start3A_74 = tpu.memref_slice %arg9[%dma_start3A] : memref<76800xf32, #tpu.memory_space<vmem>> -> memref<7680xf32, #tpu.memory_space<vmem>>
      %dma_start3A_75 = tpu.memref_slice %arg4[%add3A_69] : memref<2457600xf32, #tpu.memory_space<hbm>> -> memref<7680xf32, #tpu.memory_space<hbm>>
      %dma_start3A_76 = tpu.memref_slice %arg4[%add3A_69] : memref<2457600xf32, #tpu.memory_space<hbm>> -> memref<7680xf32, #tpu.memory_space<hbm>>
      %dma_start3A_77 = arith.constant 69120 : i32
      %dma_start3A_78 = tpu.memref_slice %arg9[%dma_start3A_77] : memref<76800xf32, #tpu.memory_space<vmem>> -> memref<7680xf32, #tpu.memory_space<vmem>>
      tpu.enqueue_dma source(%dma_start3A_78 : memref<7680xf32, #tpu.memory_space<vmem>>) target(%dma_start3A_76 : memref<7680xf32, #tpu.memory_space<hbm>>) target_semaphore(%run_scoped3A : memref<!tpu.dma_semaphore, #tpu.memory_space<semaphore_mem>>)
      %dma_wait3A = arith.constant 69120 : i32
      %dma_wait3A_79 = tpu.memref_slice %arg9[%dma_wait3A] : memref<76800xf32, #tpu.memory_space<vmem>> -> memref<7680xf32, #tpu.memory_space<vmem>>
      %dma_wait3A_80 = tpu.memref_slice %arg4[%add3A_69] : memref<2457600xf32, #tpu.memory_space<hbm>> -> memref<7680xf32, #tpu.memory_space<hbm>>
      %dma_wait3A_81 = tpu.memref_slice %arg4[%add3A_69] : memref<2457600xf32, #tpu.memory_space<hbm>> -> memref<7680xf32, #tpu.memory_space<hbm>>
      %dma_wait3A_82 = arith.constant 69120 : i32
      %dma_wait3A_83 = tpu.memref_slice %arg9[%dma_wait3A_82] : memref<76800xf32, #tpu.memory_space<vmem>> -> memref<7680xf32, #tpu.memory_space<vmem>>
      tpu.wait_dma2 semaphore(%run_scoped3A : memref<!tpu.dma_semaphore, #tpu.memory_space<semaphore_mem>>) src(%dma_wait3A_83 : memref<7680xf32, #tpu.memory_space<vmem>>) dst(%dma_wait3A_81 : memref<7680xf32, #tpu.memory_space<hbm>>)
      tpu.yield
    }) : () -> ()
    %mul3A_70 = arith.constant 8 : i32
    %mul3A_71 = arith.muli %add3A, %mul3A_70 : i32
    %mul3A_72 = arith.constant 196 : i32
    %mul3A_73 = arith.muli %mul3A_71, %mul3A_72 : i32
    "tpu.region"() ({
      %run_scoped3A = tpu.sem_alloc : memref<!tpu.dma_semaphore, #tpu.memory_space<semaphore_mem>>
      %dma_start3A = tpu.memref_slice %arg5[%mul3A_73] : memref<50176xf32, #tpu.memory_space<hbm>> -> memref<1568xf32, #tpu.memory_space<hbm>>
      %dma_start3A_74 = tpu.memref_slice %arg5[%mul3A_73] : memref<50176xf32, #tpu.memory_space<hbm>> -> memref<1568xf32, #tpu.memory_space<hbm>>
      tpu.enqueue_dma source(%arg10 : memref<1568xf32, #tpu.memory_space<vmem>>) target(%dma_start3A_74 : memref<1568xf32, #tpu.memory_space<hbm>>) target_semaphore(%run_scoped3A : memref<!tpu.dma_semaphore, #tpu.memory_space<semaphore_mem>>)
      %dma_wait3A = tpu.memref_slice %arg5[%mul3A_73] : memref<50176xf32, #tpu.memory_space<hbm>> -> memref<1568xf32, #tpu.memory_space<hbm>>
      %dma_wait3A_75 = tpu.memref_slice %arg5[%mul3A_73] : memref<50176xf32, #tpu.memory_space<hbm>> -> memref<1568xf32, #tpu.memory_space<hbm>>
      tpu.wait_dma2 semaphore(%run_scoped3A : memref<!tpu.dma_semaphore, #tpu.memory_space<semaphore_mem>>) src(%arg10 : memref<1568xf32, #tpu.memory_space<vmem>>) dst(%dma_wait3A_75 : memref<1568xf32, #tpu.memory_space<hbm>>)
      tpu.yield
    }) : () -> ()
    return
  }
}

module attributes {stable_mosaic.version = 14 : i64} {
  func.func @_conv_body(%arg0: i32, %arg1: memref<10x7680xf32, #tpu.memory_space<vmem>>, %arg2: memref<1568x1xf32, #tpu.memory_space<vmem>>, %arg3: memref<10x32xf32, #tpu.memory_space<vmem>>, %arg4: memref<10x64xf32, #tpu.memory_space<vmem>>, %arg5: memref<1x32xf32, #tpu.memory_space<vmem>>, %arg6: memref<9x32x64xf32, #tpu.memory_space<vmem>>, %arg7: memref<1x64xf32, #tpu.memory_space<vmem>>, %arg8: memref<1x64xf32, #tpu.memory_space<vmem>>, %arg9: memref<1x64xf32, #tpu.memory_space<vmem>>, %arg10: memref<1x64xf32, #tpu.memory_space<vmem>>, %arg11: memref<4x64x64xf32, #tpu.memory_space<vmem>>, %arg12: memref<1x64xf32, #tpu.memory_space<vmem>>, %arg13: memref<1x64xf32, #tpu.memory_space<vmem>>, %arg14: memref<1x64xf32, #tpu.memory_space<vmem>>, %arg15: memref<1x64xf32, #tpu.memory_space<vmem>>, %arg16: memref<8x14x14x64xf32, #tpu.memory_space<vmem>>) attributes {dimension_semantics = [#tpu.dimension_semantics<arbitrary>], iteration_bounds = array<i64: 32>, scalar_prefetch = 0 : i64, scratch_operands = 0 : i64, tpu.core_type = #tpu.core_type<tc>, window_params = [{transform_indices = @transform_0, window_bounds = array<i64: 10, 7680>}, {transform_indices = @transform_1, window_bounds = array<i64: 1568, 1>}, {pipeline_mode = #tpu.pipeline_mode<synchronous>, transform_indices = @transform_2, window_bounds = array<i64: 10, 32>}, {pipeline_mode = #tpu.pipeline_mode<synchronous>, transform_indices = @transform_3, window_bounds = array<i64: 10, 64>}, {pipeline_mode = #tpu.pipeline_mode<synchronous>, transform_indices = @transform_4, window_bounds = array<i64: 1, 32>}, {pipeline_mode = #tpu.pipeline_mode<synchronous>, transform_indices = @transform_5, window_bounds = array<i64: 9, 32, 64>}, {pipeline_mode = #tpu.pipeline_mode<synchronous>, transform_indices = @transform_6, window_bounds = array<i64: 1, 64>}, {pipeline_mode = #tpu.pipeline_mode<synchronous>, transform_indices = @transform_7, window_bounds = array<i64: 1, 64>}, {pipeline_mode = #tpu.pipeline_mode<synchronous>, transform_indices = @transform_8, window_bounds = array<i64: 1, 64>}, {pipeline_mode = #tpu.pipeline_mode<synchronous>, transform_indices = @transform_9, window_bounds = array<i64: 1, 64>}, {pipeline_mode = #tpu.pipeline_mode<synchronous>, transform_indices = @transform_10, window_bounds = array<i64: 4, 64, 64>}, {pipeline_mode = #tpu.pipeline_mode<synchronous>, transform_indices = @transform_11, window_bounds = array<i64: 1, 64>}, {pipeline_mode = #tpu.pipeline_mode<synchronous>, transform_indices = @transform_12, window_bounds = array<i64: 1, 64>}, {pipeline_mode = #tpu.pipeline_mode<synchronous>, transform_indices = @transform_13, window_bounds = array<i64: 1, 64>}, {pipeline_mode = #tpu.pipeline_mode<synchronous>, transform_indices = @transform_14, window_bounds = array<i64: 1, 64>}, {transform_indices = @transform_15, window_bounds = array<i64: 8, 14, 14, 64>}]} {
    %get3A = arith.constant 0 : index
    %get3A_0 = arith.constant 0 : index
    %get3A_1 = vector.load %arg1[%get3A, %get3A_0] : memref<10x7680xf32, #tpu.memory_space<vmem>>, vector<10x7680xf32>
    %get3A_2 = arith.constant 0 : index
    %get3A_3 = arith.constant 0 : index
    %get3A_4 = vector.load %arg3[%get3A_2, %get3A_3] : memref<10x32xf32, #tpu.memory_space<vmem>>, vector<10x32xf32>
    %dot_general3A = arith.constant dense<0.000000e+00> : vector<7680x32xf32>
    %dot_general3A_5 = tpu.matmul %get3A_1, %get3A_4, %dot_general3A {dimension_numbers = #tpu.dot_dimension_numbers<[0], [0], [1], [1], [0, 1, 1, 1], [], []>, transpose_lhs_hint = false} : vector<10x7680xf32>, vector<10x32xf32>, vector<7680x32xf32> -> vector<7680x32xf32>
    %get3A_6 = arith.constant 0 : index
    %get3A_7 = arith.constant 0 : index
    %get3A_8 = vector.load %arg4[%get3A_6, %get3A_7] : memref<10x64xf32, #tpu.memory_space<vmem>>, vector<10x64xf32>
    %dot_general3A_9 = arith.constant dense<0.000000e+00> : vector<7680x64xf32>
    %dot_general3A_10 = tpu.matmul %get3A_1, %get3A_8, %dot_general3A_9 {dimension_numbers = #tpu.dot_dimension_numbers<[0], [0], [1], [1], [0, 1, 1, 1], [], []>, transpose_lhs_hint = false} : vector<10x7680xf32>, vector<10x64xf32>, vector<7680x64xf32> -> vector<7680x64xf32>
    %get3A_11 = arith.constant 0 : index
    %get3A_12 = arith.constant 0 : index
    %get3A_13 = vector.load %arg5[%get3A_11, %get3A_12] : memref<1x32xf32, #tpu.memory_space<vmem>>, vector<1x32xf32>
    %add3A = vector.broadcast %get3A_13 : vector<1x32xf32> to vector<7680x32xf32>
    %add3A_14 = arith.addf %dot_general3A_5, %add3A : vector<7680x32xf32>
    %max3A = arith.constant 0.000000e+00 : f32
    %max3A_15 = vector.broadcast %max3A : f32 to vector<7680x32xf32>
    %max3A_16 = arith.maximumf %add3A_14, %max3A_15 : vector<7680x32xf32>
    %slice3A = vector.extract_strided_slice %dot_general3A_10 {offsets = [0, 0], sizes = [7680, 32], strides = [1, 1]} : vector<7680x64xf32> to vector<7680x32xf32>
    %mul3A = arith.mulf %max3A_16, %slice3A : vector<7680x32xf32>
    %jit3A = arith.constant 0 : i32
    %convert_element_type3A = arith.sitofp %jit3A : i32 to f32
    %pad3A = vector.broadcast %convert_element_type3A : f32 to vector<40x32xf32>
    %pad3A_17 = tpu.concatenate %pad3A, %mul3A in 0 : vector<40x32xf32>, vector<7680x32xf32> -> vector<7720x32xf32>
    %pad3A_18 = vector.broadcast %convert_element_type3A : f32 to vector<40x32xf32>
    %pad3A_19 = tpu.concatenate %pad3A_17, %pad3A_18 in 0 : vector<7720x32xf32>, vector<40x32xf32> -> vector<7760x32xf32>
    %get3A_20 = arith.constant 0 : index
    %get3A_21 = arith.constant 0 : index
    %get3A_22 = arith.constant 0 : index
    %get3A_23 = vector.load %arg6[%get3A_20, %get3A_21, %get3A_22] : memref<9x32x64xf32, #tpu.memory_space<vmem>>, vector<9x32x64xf32>
    %broadcast_in_dim3A = arith.constant 0.000000e+00 : f32
    %broadcast_in_dim3A_24 = vector.broadcast %broadcast_in_dim3A : f32 to vector<7680x64xf32>
    %slice3A_25 = vector.extract_strided_slice %pad3A_19 {offsets = [7, 0], sizes = [7680, 32], strides = [1, 1]} : vector<7760x32xf32> to vector<7680x32xf32>
    %slice3A_26 = vector.extract_strided_slice %get3A_23 {offsets = [0, 0, 0], sizes = [1, 32, 64], strides = [1, 1, 1]} : vector<9x32x64xf32> to vector<1x32x64xf32>
    %squeeze3A = vector.shape_cast %slice3A_26 : vector<1x32x64xf32> to vector<32x64xf32>
    %dot_general3A_27 = arith.constant dense<0.000000e+00> : vector<7680x64xf32>
    %dot_general3A_28 = tpu.matmul %slice3A_25, %squeeze3A, %dot_general3A_27 {dimension_numbers = #tpu.dot_dimension_numbers<[1], [0], [0], [1], [0, 0, 1, 1], [], []>, transpose_lhs_hint = false} : vector<7680x32xf32>, vector<32x64xf32>, vector<7680x64xf32> -> vector<7680x64xf32>
    %add3A_29 = arith.addf %broadcast_in_dim3A_24, %dot_general3A_28 : vector<7680x64xf32>
    %slice3A_30 = vector.extract_strided_slice %pad3A_19 {offsets = [8, 0], sizes = [7680, 32], strides = [1, 1]} : vector<7760x32xf32> to vector<7680x32xf32>
    %slice3A_31 = vector.extract_strided_slice %get3A_23 {offsets = [1, 0, 0], sizes = [1, 32, 64], strides = [1, 1, 1]} : vector<9x32x64xf32> to vector<1x32x64xf32>
    %squeeze3A_32 = vector.shape_cast %slice3A_31 : vector<1x32x64xf32> to vector<32x64xf32>
    %dot_general3A_33 = arith.constant dense<0.000000e+00> : vector<7680x64xf32>
    %dot_general3A_34 = tpu.matmul %slice3A_30, %squeeze3A_32, %dot_general3A_33 {dimension_numbers = #tpu.dot_dimension_numbers<[1], [0], [0], [1], [0, 0, 1, 1], [], []>, transpose_lhs_hint = false} : vector<7680x32xf32>, vector<32x64xf32>, vector<7680x64xf32> -> vector<7680x64xf32>
    %add3A_35 = arith.addf %add3A_29, %dot_general3A_34 : vector<7680x64xf32>
    %slice3A_36 = vector.extract_strided_slice %pad3A_19 {offsets = [9, 0], sizes = [7680, 32], strides = [1, 1]} : vector<7760x32xf32> to vector<7680x32xf32>
    %slice3A_37 = vector.extract_strided_slice %get3A_23 {offsets = [2, 0, 0], sizes = [1, 32, 64], strides = [1, 1, 1]} : vector<9x32x64xf32> to vector<1x32x64xf32>
    %squeeze3A_38 = vector.shape_cast %slice3A_37 : vector<1x32x64xf32> to vector<32x64xf32>
    %dot_general3A_39 = arith.constant dense<0.000000e+00> : vector<7680x64xf32>
    %dot_general3A_40 = tpu.matmul %slice3A_36, %squeeze3A_38, %dot_general3A_39 {dimension_numbers = #tpu.dot_dimension_numbers<[1], [0], [0], [1], [0, 0, 1, 1], [], []>, transpose_lhs_hint = false} : vector<7680x32xf32>, vector<32x64xf32>, vector<7680x64xf32> -> vector<7680x64xf32>
    %add3A_41 = arith.addf %add3A_35, %dot_general3A_40 : vector<7680x64xf32>
    %slice3A_42 = vector.extract_strided_slice %pad3A_19 {offsets = [39, 0], sizes = [7680, 32], strides = [1, 1]} : vector<7760x32xf32> to vector<7680x32xf32>
    %slice3A_43 = vector.extract_strided_slice %get3A_23 {offsets = [3, 0, 0], sizes = [1, 32, 64], strides = [1, 1, 1]} : vector<9x32x64xf32> to vector<1x32x64xf32>
    %squeeze3A_44 = vector.shape_cast %slice3A_43 : vector<1x32x64xf32> to vector<32x64xf32>
    %dot_general3A_45 = arith.constant dense<0.000000e+00> : vector<7680x64xf32>
    %dot_general3A_46 = tpu.matmul %slice3A_42, %squeeze3A_44, %dot_general3A_45 {dimension_numbers = #tpu.dot_dimension_numbers<[1], [0], [0], [1], [0, 0, 1, 1], [], []>, transpose_lhs_hint = false} : vector<7680x32xf32>, vector<32x64xf32>, vector<7680x64xf32> -> vector<7680x64xf32>
    %add3A_47 = arith.addf %add3A_41, %dot_general3A_46 : vector<7680x64xf32>
    %slice3A_48 = vector.extract_strided_slice %pad3A_19 {offsets = [40, 0], sizes = [7680, 32], strides = [1, 1]} : vector<7760x32xf32> to vector<7680x32xf32>
    %slice3A_49 = vector.extract_strided_slice %get3A_23 {offsets = [4, 0, 0], sizes = [1, 32, 64], strides = [1, 1, 1]} : vector<9x32x64xf32> to vector<1x32x64xf32>
    %squeeze3A_50 = vector.shape_cast %slice3A_49 : vector<1x32x64xf32> to vector<32x64xf32>
    %dot_general3A_51 = arith.constant dense<0.000000e+00> : vector<7680x64xf32>
    %dot_general3A_52 = tpu.matmul %slice3A_48, %squeeze3A_50, %dot_general3A_51 {dimension_numbers = #tpu.dot_dimension_numbers<[1], [0], [0], [1], [0, 0, 1, 1], [], []>, transpose_lhs_hint = false} : vector<7680x32xf32>, vector<32x64xf32>, vector<7680x64xf32> -> vector<7680x64xf32>
    %add3A_53 = arith.addf %add3A_47, %dot_general3A_52 : vector<7680x64xf32>
    %slice3A_54 = vector.extract_strided_slice %pad3A_19 {offsets = [41, 0], sizes = [7680, 32], strides = [1, 1]} : vector<7760x32xf32> to vector<7680x32xf32>
    %slice3A_55 = vector.extract_strided_slice %get3A_23 {offsets = [5, 0, 0], sizes = [1, 32, 64], strides = [1, 1, 1]} : vector<9x32x64xf32> to vector<1x32x64xf32>
    %squeeze3A_56 = vector.shape_cast %slice3A_55 : vector<1x32x64xf32> to vector<32x64xf32>
    %dot_general3A_57 = arith.constant dense<0.000000e+00> : vector<7680x64xf32>
    %dot_general3A_58 = tpu.matmul %slice3A_54, %squeeze3A_56, %dot_general3A_57 {dimension_numbers = #tpu.dot_dimension_numbers<[1], [0], [0], [1], [0, 0, 1, 1], [], []>, transpose_lhs_hint = false} : vector<7680x32xf32>, vector<32x64xf32>, vector<7680x64xf32> -> vector<7680x64xf32>
    %add3A_59 = arith.addf %add3A_53, %dot_general3A_58 : vector<7680x64xf32>
    %slice3A_60 = vector.extract_strided_slice %pad3A_19 {offsets = [71, 0], sizes = [7680, 32], strides = [1, 1]} : vector<7760x32xf32> to vector<7680x32xf32>
    %slice3A_61 = vector.extract_strided_slice %get3A_23 {offsets = [6, 0, 0], sizes = [1, 32, 64], strides = [1, 1, 1]} : vector<9x32x64xf32> to vector<1x32x64xf32>
    %squeeze3A_62 = vector.shape_cast %slice3A_61 : vector<1x32x64xf32> to vector<32x64xf32>
    %dot_general3A_63 = arith.constant dense<0.000000e+00> : vector<7680x64xf32>
    %dot_general3A_64 = tpu.matmul %slice3A_60, %squeeze3A_62, %dot_general3A_63 {dimension_numbers = #tpu.dot_dimension_numbers<[1], [0], [0], [1], [0, 0, 1, 1], [], []>, transpose_lhs_hint = false} : vector<7680x32xf32>, vector<32x64xf32>, vector<7680x64xf32> -> vector<7680x64xf32>
    %add3A_65 = arith.addf %add3A_59, %dot_general3A_64 : vector<7680x64xf32>
    %slice3A_66 = vector.extract_strided_slice %pad3A_19 {offsets = [72, 0], sizes = [7680, 32], strides = [1, 1]} : vector<7760x32xf32> to vector<7680x32xf32>
    %slice3A_67 = vector.extract_strided_slice %get3A_23 {offsets = [7, 0, 0], sizes = [1, 32, 64], strides = [1, 1, 1]} : vector<9x32x64xf32> to vector<1x32x64xf32>
    %squeeze3A_68 = vector.shape_cast %slice3A_67 : vector<1x32x64xf32> to vector<32x64xf32>
    %dot_general3A_69 = arith.constant dense<0.000000e+00> : vector<7680x64xf32>
    %dot_general3A_70 = tpu.matmul %slice3A_66, %squeeze3A_68, %dot_general3A_69 {dimension_numbers = #tpu.dot_dimension_numbers<[1], [0], [0], [1], [0, 0, 1, 1], [], []>, transpose_lhs_hint = false} : vector<7680x32xf32>, vector<32x64xf32>, vector<7680x64xf32> -> vector<7680x64xf32>
    %add3A_71 = arith.addf %add3A_65, %dot_general3A_70 : vector<7680x64xf32>
    %slice3A_72 = vector.extract_strided_slice %pad3A_19 {offsets = [73, 0], sizes = [7680, 32], strides = [1, 1]} : vector<7760x32xf32> to vector<7680x32xf32>
    %slice3A_73 = vector.extract_strided_slice %get3A_23 {offsets = [8, 0, 0], sizes = [1, 32, 64], strides = [1, 1, 1]} : vector<9x32x64xf32> to vector<1x32x64xf32>
    %squeeze3A_74 = vector.shape_cast %slice3A_73 : vector<1x32x64xf32> to vector<32x64xf32>
    %dot_general3A_75 = arith.constant dense<0.000000e+00> : vector<7680x64xf32>
    %dot_general3A_76 = tpu.matmul %slice3A_72, %squeeze3A_74, %dot_general3A_75 {dimension_numbers = #tpu.dot_dimension_numbers<[1], [0], [0], [1], [0, 0, 1, 1], [], []>, transpose_lhs_hint = false} : vector<7680x32xf32>, vector<32x64xf32>, vector<7680x64xf32> -> vector<7680x64xf32>
    %add3A_77 = arith.addf %add3A_71, %dot_general3A_76 : vector<7680x64xf32>
    %get3A_78 = arith.constant 0 : index
    %get3A_79 = arith.constant 0 : index
    %get3A_80 = vector.load %arg7[%get3A_78, %get3A_79] : memref<1x64xf32, #tpu.memory_space<vmem>>, vector<1x64xf32>
    %get3A_81 = arith.constant 0 : index
    %get3A_82 = arith.constant 0 : index
    %get3A_83 = vector.load %arg10[%get3A_81, %get3A_82] : memref<1x64xf32, #tpu.memory_space<vmem>>, vector<1x64xf32>
    %add3A_84 = arith.constant 9.99999974E-6 : f32
    %add3A_85 = vector.broadcast %add3A_84 : f32 to vector<1x64xf32>
    %add3A_86 = arith.addf %get3A_83, %add3A_85 : vector<1x64xf32>
    %rsqrt3A = math.rsqrt %add3A_86 : vector<1x64xf32>
    %mul3A_87 = arith.mulf %get3A_80, %rsqrt3A : vector<1x64xf32>
    %get3A_88 = arith.constant 0 : index
    %get3A_89 = arith.constant 0 : index
    %get3A_90 = vector.load %arg8[%get3A_88, %get3A_89] : memref<1x64xf32, #tpu.memory_space<vmem>>, vector<1x64xf32>
    %get3A_91 = arith.constant 0 : index
    %get3A_92 = arith.constant 0 : index
    %get3A_93 = vector.load %arg9[%get3A_91, %get3A_92] : memref<1x64xf32, #tpu.memory_space<vmem>>, vector<1x64xf32>
    %mul3A_94 = arith.mulf %get3A_93, %mul3A_87 : vector<1x64xf32>
    %sub3A = arith.subf %get3A_90, %mul3A_94 : vector<1x64xf32>
    %mul3A_95 = vector.broadcast %mul3A_87 : vector<1x64xf32> to vector<7680x64xf32>
    %mul3A_96 = arith.mulf %add3A_77, %mul3A_95 : vector<7680x64xf32>
    %add3A_97 = vector.broadcast %sub3A : vector<1x64xf32> to vector<7680x64xf32>
    %add3A_98 = arith.addf %mul3A_96, %add3A_97 : vector<7680x64xf32>
    %max3A_99 = arith.constant 0.000000e+00 : f32
    %max3A_100 = vector.broadcast %max3A_99 : f32 to vector<7680x64xf32>
    %max3A_101 = arith.maximumf %add3A_98, %max3A_100 : vector<7680x64xf32>
    %mul3A_102 = arith.mulf %max3A_101, %dot_general3A_10 : vector<7680x64xf32>
    %reshape3A = vector.shape_cast %mul3A_102 : vector<7680x64xf32> to vector<8x30x32x64xf32>
    %slice3A_103 = vector.extract_strided_slice %reshape3A {offsets = [0, 1, 1, 0], sizes = [8, 28, 28, 64], strides = [1, 1, 1, 1]} : vector<8x30x32x64xf32> to vector<8x28x28x64xf32>
    %reshape3A_104 = vector.shape_cast %slice3A_103 : vector<8x28x28x64xf32> to vector<8x14x2x14x2x64xf32>
    %broadcast_in_dim3A_105 = arith.constant 0.000000e+00 : f32
    %broadcast_in_dim3A_106 = vector.broadcast %broadcast_in_dim3A_105 : f32 to vector<1568x64xf32>
    %slice3A_107 = vector.extract_strided_slice %reshape3A_104 {offsets = [0, 0, 0, 0, 0, 0], sizes = [8, 14, 1, 14, 1, 64], strides = [1, 1, 1, 1, 1, 1]} : vector<8x14x2x14x2x64xf32> to vector<8x14x1x14x1x64xf32>
    %squeeze3A_108 = vector.shape_cast %slice3A_107 : vector<8x14x1x14x1x64xf32> to vector<8x14x14x64xf32>
    %reshape3A_109 = vector.shape_cast %squeeze3A_108 : vector<8x14x14x64xf32> to vector<1568x64xf32>
    %get3A_110 = arith.constant 0 : index
    %get3A_111 = arith.constant 0 : index
    %get3A_112 = arith.constant 0 : index
    %get3A_113 = vector.load %arg11[%get3A_110, %get3A_111, %get3A_112] : memref<4x64x64xf32, #tpu.memory_space<vmem>>, vector<1x64x64xf32>
    %get3A_114 = vector.shape_cast %get3A_113 : vector<1x64x64xf32> to vector<64x64xf32>
    %dot_general3A_115 = arith.constant dense<0.000000e+00> : vector<1568x64xf32>
    %dot_general3A_116 = tpu.matmul %reshape3A_109, %get3A_114, %dot_general3A_115 {dimension_numbers = #tpu.dot_dimension_numbers<[1], [0], [0], [1], [0, 0, 1, 1], [], []>, transpose_lhs_hint = false} : vector<1568x64xf32>, vector<64x64xf32>, vector<1568x64xf32> -> vector<1568x64xf32>
    %add3A_117 = arith.addf %broadcast_in_dim3A_106, %dot_general3A_116 : vector<1568x64xf32>
    %slice3A_118 = vector.extract_strided_slice %reshape3A_104 {offsets = [0, 0, 0, 0, 1, 0], sizes = [8, 14, 1, 14, 1, 64], strides = [1, 1, 1, 1, 1, 1]} : vector<8x14x2x14x2x64xf32> to vector<8x14x1x14x1x64xf32>
    %squeeze3A_119 = vector.shape_cast %slice3A_118 : vector<8x14x1x14x1x64xf32> to vector<8x14x14x64xf32>
    %reshape3A_120 = vector.shape_cast %squeeze3A_119 : vector<8x14x14x64xf32> to vector<1568x64xf32>
    %get3A_121 = arith.constant 1 : index
    %get3A_122 = arith.constant 0 : index
    %get3A_123 = arith.constant 0 : index
    %get3A_124 = vector.load %arg11[%get3A_121, %get3A_122, %get3A_123] : memref<4x64x64xf32, #tpu.memory_space<vmem>>, vector<1x64x64xf32>
    %get3A_125 = vector.shape_cast %get3A_124 : vector<1x64x64xf32> to vector<64x64xf32>
    %dot_general3A_126 = arith.constant dense<0.000000e+00> : vector<1568x64xf32>
    %dot_general3A_127 = tpu.matmul %reshape3A_120, %get3A_125, %dot_general3A_126 {dimension_numbers = #tpu.dot_dimension_numbers<[1], [0], [0], [1], [0, 0, 1, 1], [], []>, transpose_lhs_hint = false} : vector<1568x64xf32>, vector<64x64xf32>, vector<1568x64xf32> -> vector<1568x64xf32>
    %add3A_128 = arith.addf %add3A_117, %dot_general3A_127 : vector<1568x64xf32>
    %slice3A_129 = vector.extract_strided_slice %reshape3A_104 {offsets = [0, 0, 1, 0, 0, 0], sizes = [8, 14, 1, 14, 1, 64], strides = [1, 1, 1, 1, 1, 1]} : vector<8x14x2x14x2x64xf32> to vector<8x14x1x14x1x64xf32>
    %squeeze3A_130 = vector.shape_cast %slice3A_129 : vector<8x14x1x14x1x64xf32> to vector<8x14x14x64xf32>
    %reshape3A_131 = vector.shape_cast %squeeze3A_130 : vector<8x14x14x64xf32> to vector<1568x64xf32>
    %get3A_132 = arith.constant 2 : index
    %get3A_133 = arith.constant 0 : index
    %get3A_134 = arith.constant 0 : index
    %get3A_135 = vector.load %arg11[%get3A_132, %get3A_133, %get3A_134] : memref<4x64x64xf32, #tpu.memory_space<vmem>>, vector<1x64x64xf32>
    %get3A_136 = vector.shape_cast %get3A_135 : vector<1x64x64xf32> to vector<64x64xf32>
    %dot_general3A_137 = arith.constant dense<0.000000e+00> : vector<1568x64xf32>
    %dot_general3A_138 = tpu.matmul %reshape3A_131, %get3A_136, %dot_general3A_137 {dimension_numbers = #tpu.dot_dimension_numbers<[1], [0], [0], [1], [0, 0, 1, 1], [], []>, transpose_lhs_hint = false} : vector<1568x64xf32>, vector<64x64xf32>, vector<1568x64xf32> -> vector<1568x64xf32>
    %add3A_139 = arith.addf %add3A_128, %dot_general3A_138 : vector<1568x64xf32>
    %slice3A_140 = vector.extract_strided_slice %reshape3A_104 {offsets = [0, 0, 1, 0, 1, 0], sizes = [8, 14, 1, 14, 1, 64], strides = [1, 1, 1, 1, 1, 1]} : vector<8x14x2x14x2x64xf32> to vector<8x14x1x14x1x64xf32>
    %squeeze3A_141 = vector.shape_cast %slice3A_140 : vector<8x14x1x14x1x64xf32> to vector<8x14x14x64xf32>
    %reshape3A_142 = vector.shape_cast %squeeze3A_141 : vector<8x14x14x64xf32> to vector<1568x64xf32>
    %get3A_143 = arith.constant 3 : index
    %get3A_144 = arith.constant 0 : index
    %get3A_145 = arith.constant 0 : index
    %get3A_146 = vector.load %arg11[%get3A_143, %get3A_144, %get3A_145] : memref<4x64x64xf32, #tpu.memory_space<vmem>>, vector<1x64x64xf32>
    %get3A_147 = vector.shape_cast %get3A_146 : vector<1x64x64xf32> to vector<64x64xf32>
    %dot_general3A_148 = arith.constant dense<0.000000e+00> : vector<1568x64xf32>
    %dot_general3A_149 = tpu.matmul %reshape3A_142, %get3A_147, %dot_general3A_148 {dimension_numbers = #tpu.dot_dimension_numbers<[1], [0], [0], [1], [0, 0, 1, 1], [], []>, transpose_lhs_hint = false} : vector<1568x64xf32>, vector<64x64xf32>, vector<1568x64xf32> -> vector<1568x64xf32>
    %add3A_150 = arith.addf %add3A_139, %dot_general3A_149 : vector<1568x64xf32>
    %get3A_151 = arith.constant 0 : index
    %get3A_152 = arith.constant 0 : index
    %get3A_153 = vector.load %arg12[%get3A_151, %get3A_152] : memref<1x64xf32, #tpu.memory_space<vmem>>, vector<1x64xf32>
    %get3A_154 = arith.constant 0 : index
    %get3A_155 = arith.constant 0 : index
    %get3A_156 = vector.load %arg15[%get3A_154, %get3A_155] : memref<1x64xf32, #tpu.memory_space<vmem>>, vector<1x64xf32>
    %add3A_157 = arith.constant 9.99999974E-6 : f32
    %add3A_158 = vector.broadcast %add3A_157 : f32 to vector<1x64xf32>
    %add3A_159 = arith.addf %get3A_156, %add3A_158 : vector<1x64xf32>
    %rsqrt3A_160 = math.rsqrt %add3A_159 : vector<1x64xf32>
    %mul3A_161 = arith.mulf %get3A_153, %rsqrt3A_160 : vector<1x64xf32>
    %get3A_162 = arith.constant 0 : index
    %get3A_163 = arith.constant 0 : index
    %get3A_164 = vector.load %arg13[%get3A_162, %get3A_163] : memref<1x64xf32, #tpu.memory_space<vmem>>, vector<1x64xf32>
    %get3A_165 = arith.constant 0 : index
    %get3A_166 = arith.constant 0 : index
    %get3A_167 = vector.load %arg14[%get3A_165, %get3A_166] : memref<1x64xf32, #tpu.memory_space<vmem>>, vector<1x64xf32>
    %mul3A_168 = arith.mulf %get3A_167, %mul3A_161 : vector<1x64xf32>
    %sub3A_169 = arith.subf %get3A_164, %mul3A_168 : vector<1x64xf32>
    %mul3A_170 = vector.broadcast %mul3A_161 : vector<1x64xf32> to vector<1568x64xf32>
    %mul3A_171 = arith.mulf %add3A_150, %mul3A_170 : vector<1568x64xf32>
    %add3A_172 = vector.broadcast %sub3A_169 : vector<1x64xf32> to vector<1568x64xf32>
    %add3A_173 = arith.addf %mul3A_171, %add3A_172 : vector<1568x64xf32>
    %max3A_174 = arith.constant 0.000000e+00 : f32
    %max3A_175 = vector.broadcast %max3A_174 : f32 to vector<1568x64xf32>
    %max3A_176 = arith.maximumf %add3A_173, %max3A_175 : vector<1568x64xf32>
    %get3A_177 = arith.constant 0 : index
    %get3A_178 = arith.constant 0 : index
    %get3A_179 = vector.load %arg2[%get3A_177, %get3A_178] : memref<1568x1xf32, #tpu.memory_space<vmem>>, vector<1568x1xf32>
    %mul3A_180 = vector.broadcast %get3A_179 : vector<1568x1xf32> to vector<1568x64xf32>
    %mul3A_181 = arith.mulf %max3A_176, %mul3A_180 : vector<1568x64xf32>
    %reshape3A_182 = vector.shape_cast %mul3A_181 : vector<1568x64xf32> to vector<8x14x14x64xf32>
    %swap3A = arith.constant 0 : index
    %swap3A_183 = arith.constant 0 : index
    %swap3A_184 = arith.constant 0 : index
    %swap3A_185 = arith.constant 0 : index
    %swap3A_186 = vector.load %arg16[%swap3A, %swap3A_183, %swap3A_184, %swap3A_185] : memref<8x14x14x64xf32, #tpu.memory_space<vmem>>, vector<8x14x14x64xf32>
    tpu.vector_store %arg16[%swap3A, %swap3A_183, %swap3A_184, %swap3A_185], %reshape3A_182 {strides = array<i32>} : memref<8x14x14x64xf32, #tpu.memory_space<vmem>>, vector<8x14x14x64xf32>,
    return
  }
  func.func @transform_0(%arg0: i32) -> (i32, i32) {
    %c0_i32 = arith.constant 0 : i32
    %c0_i32_0 = arith.constant 0 : i32
    return %c0_i32, %arg0 : i32, i32
  }
  func.func @transform_1(%arg0: i32) -> (i32, i32) {
    %c0_i32 = arith.constant 0 : i32
    %c0_i32_0 = arith.constant 0 : i32
    return %arg0, %c0_i32 : i32, i32
  }
  func.func @transform_2(%arg0: i32) -> (i32, i32) {
    %c0_i32 = arith.constant 0 : i32
    %c0_i32_0 = arith.constant 0 : i32
    %c0_i32_1 = arith.constant 0 : i32
    return %c0_i32, %c0_i32_0 : i32, i32
  }
  func.func @transform_3(%arg0: i32) -> (i32, i32) {
    %c0_i32 = arith.constant 0 : i32
    %c0_i32_0 = arith.constant 0 : i32
    %c0_i32_1 = arith.constant 0 : i32
    return %c0_i32, %c0_i32_0 : i32, i32
  }
  func.func @transform_4(%arg0: i32) -> (i32, i32) {
    %c0_i32 = arith.constant 0 : i32
    %c0_i32_0 = arith.constant 0 : i32
    %c0_i32_1 = arith.constant 0 : i32
    return %c0_i32, %c0_i32_0 : i32, i32
  }
  func.func @transform_5(%arg0: i32) -> (i32, i32, i32) {
    %c0_i32 = arith.constant 0 : i32
    %c0_i32_0 = arith.constant 0 : i32
    %c0_i32_1 = arith.constant 0 : i32
    %c0_i32_2 = arith.constant 0 : i32
    return %c0_i32, %c0_i32_0, %c0_i32_1 : i32, i32, i32
  }
  func.func @transform_6(%arg0: i32) -> (i32, i32) {
    %c0_i32 = arith.constant 0 : i32
    %c0_i32_0 = arith.constant 0 : i32
    %c0_i32_1 = arith.constant 0 : i32
    return %c0_i32, %c0_i32_0 : i32, i32
  }
  func.func @transform_7(%arg0: i32) -> (i32, i32) {
    %c0_i32 = arith.constant 0 : i32
    %c0_i32_0 = arith.constant 0 : i32
    %c0_i32_1 = arith.constant 0 : i32
    return %c0_i32, %c0_i32_0 : i32, i32
  }
  func.func @transform_8(%arg0: i32) -> (i32, i32) {
    %c0_i32 = arith.constant 0 : i32
    %c0_i32_0 = arith.constant 0 : i32
    %c0_i32_1 = arith.constant 0 : i32
    return %c0_i32, %c0_i32_0 : i32, i32
  }
  func.func @transform_9(%arg0: i32) -> (i32, i32) {
    %c0_i32 = arith.constant 0 : i32
    %c0_i32_0 = arith.constant 0 : i32
    %c0_i32_1 = arith.constant 0 : i32
    return %c0_i32, %c0_i32_0 : i32, i32
  }
  func.func @transform_10(%arg0: i32) -> (i32, i32, i32) {
    %c0_i32 = arith.constant 0 : i32
    %c0_i32_0 = arith.constant 0 : i32
    %c0_i32_1 = arith.constant 0 : i32
    %c0_i32_2 = arith.constant 0 : i32
    return %c0_i32, %c0_i32_0, %c0_i32_1 : i32, i32, i32
  }
  func.func @transform_11(%arg0: i32) -> (i32, i32) {
    %c0_i32 = arith.constant 0 : i32
    %c0_i32_0 = arith.constant 0 : i32
    %c0_i32_1 = arith.constant 0 : i32
    return %c0_i32, %c0_i32_0 : i32, i32
  }
  func.func @transform_12(%arg0: i32) -> (i32, i32) {
    %c0_i32 = arith.constant 0 : i32
    %c0_i32_0 = arith.constant 0 : i32
    %c0_i32_1 = arith.constant 0 : i32
    return %c0_i32, %c0_i32_0 : i32, i32
  }
  func.func @transform_13(%arg0: i32) -> (i32, i32) {
    %c0_i32 = arith.constant 0 : i32
    %c0_i32_0 = arith.constant 0 : i32
    %c0_i32_1 = arith.constant 0 : i32
    return %c0_i32, %c0_i32_0 : i32, i32
  }
  func.func @transform_14(%arg0: i32) -> (i32, i32) {
    %c0_i32 = arith.constant 0 : i32
    %c0_i32_0 = arith.constant 0 : i32
    %c0_i32_1 = arith.constant 0 : i32
    return %c0_i32, %c0_i32_0 : i32, i32
  }
  func.func @transform_15(%arg0: i32) -> (i32, i32, i32, i32) {
    %c0_i32 = arith.constant 0 : i32
    %c0_i32_0 = arith.constant 0 : i32
    %c0_i32_1 = arith.constant 0 : i32
    %c0_i32_2 = arith.constant 0 : i32
    return %arg0, %c0_i32, %c0_i32_0, %c0_i32_1 : i32, i32, i32, i32
  }
}

module attributes {stable_mosaic.version = 14 : i64} {
  func.func @_fc_body(%arg0: memref<256x12544xf32, #tpu.memory_space<vmem>>, %arg1: memref<12544x128xf32, #tpu.memory_space<vmem>>, %arg2: memref<1x128xf32, #tpu.memory_space<vmem>>, %arg3: memref<128x128xf32, #tpu.memory_space<vmem>>, %arg4: memref<1x128xf32, #tpu.memory_space<vmem>>, %arg5: memref<256x128xf32, #tpu.memory_space<vmem>>) attributes {dimension_semantics = [], scalar_prefetch = 0 : i64, scratch_operands = 0 : i64, tpu.core_type = #tpu.core_type<tc>} {
    %get3A = arith.constant 0 : index
    %get3A_0 = arith.constant 0 : index
    %get3A_1 = vector.load %arg0[%get3A, %get3A_0] : memref<256x12544xf32, #tpu.memory_space<vmem>>, vector<256x12544xf32>
    %get3A_2 = arith.constant 0 : index
    %get3A_3 = arith.constant 0 : index
    %get3A_4 = vector.load %arg1[%get3A_2, %get3A_3] : memref<12544x128xf32, #tpu.memory_space<vmem>>, vector<12544x128xf32>
    %dot_general3A = arith.constant dense<0.000000e+00> : vector<256x128xf32>
    %dot_general3A_5 = tpu.matmul %get3A_1, %get3A_4, %dot_general3A {dimension_numbers = #tpu.dot_dimension_numbers<[1], [0], [0], [1], [0, 0, 1, 1], [], []>, transpose_lhs_hint = false} : vector<256x12544xf32>, vector<12544x128xf32>, vector<256x128xf32> -> vector<256x128xf32>
    %get3A_6 = arith.constant 0 : index
    %get3A_7 = arith.constant 0 : index
    %get3A_8 = vector.load %arg2[%get3A_6, %get3A_7] : memref<1x128xf32, #tpu.memory_space<vmem>>, vector<1x128xf32>
    %add3A = vector.broadcast %get3A_8 : vector<1x128xf32> to vector<256x128xf32>
    %add3A_9 = arith.addf %dot_general3A_5, %add3A : vector<256x128xf32>
    %max3A = arith.constant 0.000000e+00 : f32
    %max3A_10 = vector.broadcast %max3A : f32 to vector<256x128xf32>
    %max3A_11 = arith.maximumf %add3A_9, %max3A_10 : vector<256x128xf32>
    %get3A_12 = arith.constant 0 : index
    %get3A_13 = arith.constant 0 : index
    %get3A_14 = vector.load %arg3[%get3A_12, %get3A_13] : memref<128x128xf32, #tpu.memory_space<vmem>>, vector<128x128xf32>
    %dot_general3A_15 = arith.constant dense<0.000000e+00> : vector<256x128xf32>
    %dot_general3A_16 = tpu.matmul %max3A_11, %get3A_14, %dot_general3A_15 {dimension_numbers = #tpu.dot_dimension_numbers<[1], [0], [0], [1], [0, 0, 1, 1], [], []>, transpose_lhs_hint = false} : vector<256x128xf32>, vector<128x128xf32>, vector<256x128xf32> -> vector<256x128xf32>
    %get3A_17 = arith.constant 0 : index
    %get3A_18 = arith.constant 0 : index
    %get3A_19 = vector.load %arg4[%get3A_17, %get3A_18] : memref<1x128xf32, #tpu.memory_space<vmem>>, vector<1x128xf32>
    %add3A_20 = vector.broadcast %get3A_19 : vector<1x128xf32> to vector<256x128xf32>
    %add3A_21 = arith.addf %dot_general3A_16, %add3A_20 : vector<256x128xf32>
    %iota3A = tpu.iota {dimensions = array<i32: 1>} : vector<256x128xi32>
    %lt3A = arith.constant 10 : i32
    %lt3A_22 = vector.broadcast %lt3A : i32 to vector<256x128xi32>
    %lt3A_23 = arith.cmpi slt, %iota3A, %lt3A_22 : vector<256x128xi32>
    %jit3A = arith.constant -1.000000e+30 : f32
    %broadcast_in_dim3A = vector.broadcast %jit3A : f32 to vector<256x128xf32>
    %select_n3A = arith.select %lt3A_23, %add3A_21, %broadcast_in_dim3A : vector<256x128xi1>, vector<256x128xf32>
    %reduce_max3A = arith.constant dense<0xFF800000> : vector<256xf32>
    %reduce_max3A_24 = vector.multi_reduction <maximumf>, %select_n3A, %reduce_max3A [1] : vector<256x128xf32> to vector<256xf32>
    %broadcast_in_dim3A_25 = vector.shape_cast %reduce_max3A_24 : vector<256xf32> to vector<256x1xf32>
    %sub3A = vector.broadcast %broadcast_in_dim3A_25 : vector<256x1xf32> to vector<256x128xf32>
    %sub3A_26 = arith.subf %select_n3A, %sub3A : vector<256x128xf32>
    %exp3A = math.exp %sub3A_26 : vector<256x128xf32>
    %reduce_sum3A = arith.constant dense<0.000000e+00> : vector<256xf32>
    %reduce_sum3A_27 = vector.multi_reduction <add>, %exp3A, %reduce_sum3A [1] : vector<256x128xf32> to vector<256xf32>
    %broadcast_in_dim3A_28 = vector.shape_cast %reduce_sum3A_27 : vector<256xf32> to vector<256x1xf32>
    %sub3A_29 = vector.broadcast %broadcast_in_dim3A_25 : vector<256x1xf32> to vector<256x128xf32>
    %sub3A_30 = arith.subf %add3A_21, %sub3A_29 : vector<256x128xf32>
    %log3A = math.log %broadcast_in_dim3A_28 : vector<256x1xf32>
    %sub3A_31 = vector.broadcast %log3A : vector<256x1xf32> to vector<256x128xf32>
    %sub3A_32 = arith.subf %sub3A_30, %sub3A_31 : vector<256x128xf32>
    %swap3A = arith.constant 0 : index
    %swap3A_33 = arith.constant 0 : index
    %swap3A_34 = vector.load %arg5[%swap3A, %swap3A_33] : memref<256x128xf32, #tpu.memory_space<vmem>>, vector<256x128xf32>
    tpu.vector_store %arg5[%swap3A, %swap3A_33], %sub3A_32 {strides = array<i32>} : memref<256x128xf32, #tpu.memory_space<vmem>>, vector<256x128xf32>,
    return
  }
}

</mosaic_0001>

<sc_bundles>
// kernel: kernel.5.cloned.1.call-start
scs
__scs_entry_jumppad:
0x0: {  	(pc) =	sbr.rel $0x88, $3  }
0x1: {  	(tag) =	ssettag $0x0;
	lr =	simm.s32 $0x1  }
0x2: {  	[smem:$0x3F8C] =	sst lr;
	_ =	strace $0xD0000000  }
0x3: {  	_ = 	snop  }
0x4: {  	_ = 	snop  }
0x5: {  	_ = 	snop  }
0x6: {  	_ = 	snop  }
0x7: {  	_ = 	snop  }
__scs_overlays_trampoline_lowered:
0x8: {  	[smem:$0x3F9B] =	sst s0  }
0x9: {  	[smem:$0x3F9C] =	sst s1  }
0xa: {  	[smem:$0x3F9D] =	sst s2  }
0xb: {  	[smem:$0x3F9E] =	sst s3  }
0xc: {  	[smem:$0x3F9F] =	sst s4  }
0xd: {  	[smem:$0x3FA0] =	sst s5  }
0xe: {  	[smem:$0x3FA1] =	sst s6  }
0xf: {  	[smem:$0x3FA2] =	sst s7  }
0x10: {  	[smem:$0x3FA3] =	sst s8  }
0x11: {  	[smem:$0x3FA4] =	sst s9;
	s0 =	simm.s32 @!p0 $0x0  }
0x12: {  	s1 =	sld [smem:$0x3F8A];
	s0 =	simm.s32 @p0 $0x1  }
0x13: {  	[smem:$0x3FA5] =	sst s0;
	s0 =	simm.s32 @!p1 $0x0  }
0x14: {  	s2 =	sld [smem:$0x3F89];
	s0 =	simm.s32 @p1 $0x1  }
0x15: {  	[smem:$0x3FA6] =	sst s0;
	s0 =	simm.s32 @!p2 $0x0  }
0x16: {  	s3 =	sld [smem:$0x3FDB];
	s0 =	simm.s32 @p2 $0x1  }
0x17: {  	s4 =	simm.s32 $0x1BF5;
	[smem:$0x3FA8] =	sst s0  }
0x18: {  	s0 =	sld [smem:$0x3F8B];
	_ =	swait.ge [sflag:s4], $0x0  }
0x19: {  	s7 =	sld [smem:$0x3F8C]  }
0x1a: {  	s8 =	sadd.s32 $0xFFFFE003, lr  }
0x1b: {  	s9 =	sadd.s32 $0xFFFFFEF7, lr;
	s5 =	simm.s32 $0xFFFFFFFF;
	p2 =	slt.u32 s8, $0xFFFFF086  }
0x1c: {  	p1 =	slt.u32 s9, $0xF7A;
	s5 =	simm.s32 @!p2 $0x0  }
0x1d: {  	s5 =	simm.s32 @p1 $0x1;
	p0 =	seq.s32 s7, s2  }
0x1e: {  	s7 =	smul.u32 @!p0 $0xF7A, s2;
	p2 =	seq.s32 @!p0 s5, $0x0  }
0x1f: {  	s9 =	smul.u32 $0xF7A, s1;
	s8 =	simm.s32 @!p0 $0x1BF5;
	p2 =	por !p2, p0  }
0x20: {  	[sflag:s8] =	ssyncset.s32 @!p0 $0xFFFFF086;
	s6 =	sadd.s32 @!p0 s3, s7;
	s7 =	simm.s32 @!p0 $0x108  }
0x21: {  	s3 =	sadd.s32 s3, s9;
	s6 =	sadd.s32 @!p0 $0x88, s6;
	s7 =	simm.s32 @p2 $0x1082  }
0x22: {  	[simem:s7], [sflag:s8] =	dma.local @!p0 [hbm:s6], $0xF7A  }
0x23: {  	s9 =	sor.u32 $0xD0000000, s2;
	s6 =	simm.s32 $0x108;
	_ =	swait.ge @!p0 [sflag:s8], $0x0  }
0x24: {  	s3 =	sadd.s32 $0x88, s3;
	s6 =	simm.s32 @!p1 $0x1082;
	[sflag:s4] =	ssyncset.s32 $0xFFFFF086  }
0x25: {  	[simem:s6], [sflag:s4] =	dma.local [hbm:s3], $0xF7A  }
0x26: {  	[smem:$0x3F8C] =	sst s1;
	(tag) =	ssettag s2;
	_ =	strace s9  }
0x27: {  	s1 =	sld [smem:$0x3F9C]  }
0x28: {  	s2 =	sld [smem:$0x3F9D]  }
0x29: {  	s4 =	sld [smem:$0x3F9F]  }
0x2a: {  	p0 =	seq.s32 s5, $0x0;
	s5 =	sld [smem:$0x3FA0]  }
0x2b: {  	s6 =	sld [smem:$0x3FA1]  }
0x2c: {  	s7 =	sld [smem:$0x3FA2]  }
0x2d: {  	s3 =	simm.s32 $0x108;
	s8 =	sld [smem:$0x3FA3]  }
0x2e: {  	s3 =	simm.s32 @!p0 $0x1082;
	s9 =	sld [smem:$0x3FA4]  }
0x2f: {  	lr =	sadd.s32 s0, s3;
	s0 =	sld [smem:$0x3F9B]  }
0x30: {  	s3 =	sld [smem:$0x3F9E]  }
0x31: {  	[smem:$0x3FA7] =	sst s10  }
0x32: {  	s10 =	sld [smem:$0x3FA5];
	_ =	sdelay $0x3  }
0x33: {  	p0 =	seq.s32 s10, $0x1;
	s10 =	sld [smem:$0x3FA7];
	_ =	sdelay $0x3  }
0x34: {  	[smem:$0x3FA7] =	sst s10  }
0x35: {  	s10 =	sld [smem:$0x3FA6];
	_ =	sdelay $0x3  }
0x36: {  	p1 =	seq.s32 s10, $0x1;
	s10 =	sld [smem:$0x3FA7];
	_ =	sdelay $0x3  }
0x37: {  	[smem:$0x3FA7] =	sst s10  }
0x38: {  	s10 =	sld [smem:$0x3FA8]  }
0x39: {  	_ = 	snop;
	(pc) =	sbr.ind lr, $3  }
0x3a: {  	_ = 	snop  }
0x3b: {  	_ = 	snop  }
0x3c: {  	p2 =	seq.s32 s10, $0x1;
	s10 =	sld [smem:$0x3FA7]  }
0x3d: {  	_ =	shalt  }
0x3e: {  	_ =	shalt  }
0x3f: {  	_ =	shalt  }
0x40: {  	_ =	shalt  }
0x41: {  	_ =	shalt  }
0x42: {  	_ =	shalt  }
0x43: {  	_ =	shalt  }
0x44: {  	_ =	shalt  }
0x45: {  	_ =	shalt  }
0x46: {  	_ =	shalt  }
0x47: {  	_ =	shalt  }
0x48: {  	_ =	shalt  }
0x49: {  	_ =	shalt  }
0x4a: {  	_ =	shalt  }
0x4b: {  	_ =	shalt  }
0x4c: {  	_ =	shalt  }
0x4d: {  	_ =	shalt  }
0x4e: {  	_ =	shalt  }
0x4f: {  	_ =	shalt  }
0x50: {  	_ =	shalt  }
0x51: {  	_ =	shalt  }
0x52: {  	_ =	shalt  }
0x53: {  	_ =	shalt  }
0x54: {  	_ =	shalt  }
0x55: {  	_ =	shalt  }
0x56: {  	_ =	shalt  }
0x57: {  	_ =	shalt  }
0x58: {  	_ =	shalt  }
0x59: {  	_ =	shalt  }
0x5a: {  	_ =	shalt  }
0x5b: {  	_ =	shalt  }
0x5c: {  	_ =	shalt  }
0x5d: {  	_ =	shalt  }
0x5e: {  	_ =	shalt  }
0x5f: {  	_ =	shalt  }
0x60: {  	_ =	shalt  }
0x61: {  	_ =	shalt  }
0x62: {  	_ =	shalt  }
0x63: {  	_ =	shalt  }
0x64: {  	_ =	shalt  }
0x65: {  	_ =	shalt  }
0x66: {  	_ =	shalt  }
0x67: {  	_ =	shalt  }
0x68: {  	_ =	shalt  }
0x69: {  	_ =	shalt  }
0x6a: {  	_ =	shalt  }
0x6b: {  	_ =	shalt  }
0x6c: {  	_ =	shalt  }
0x6d: {  	_ =	shalt  }
0x6e: {  	_ =	shalt  }
0x6f: {  	_ =	shalt  }
0x70: {  	_ =	shalt  }
0x71: {  	_ =	shalt  }
0x72: {  	_ =	shalt  }
0x73: {  	_ =	shalt  }
0x74: {  	_ =	shalt  }
0x75: {  	_ =	shalt  }
0x76: {  	_ =	shalt  }
0x77: {  	_ =	shalt  }
0x78: {  	_ =	shalt  }
0x79: {  	_ =	shalt  }
0x7a: {  	_ =	shalt  }
0x7b: {  	_ =	shalt  }
0x7c: {  	_ =	shalt  }
0x7d: {  	_ =	shalt  }
0x7e: {  	_ =	shalt  }
0x7f: {  	_ =	shalt  }
0x80: {  	_ =	shalt  }
0x81: {  	_ =	shalt  }
0x82: {  	_ =	shalt  }
0x83: {  	_ =	shalt  }
0x84: {  	_ =	shalt  }
0x85: {  	_ =	shalt  }
0x86: {  	_ =	shalt  }
0x87: {  	_ =	shalt  }
.Lfunc_end0:
.L_simem_size_0:
called_computation_lowered:
.L_overlay_start_0:
0x88: {  	s2 =	sld [smem:$0x3FD9]  }
0x89: {  	s3 =	sld [smem:$0x3FFE];
	_ =	sdelay $0x1  }
0x8a: {  	s1 =	srdreg.scid  }
0x8b: {  	s0 =	sand.u32 $0x1, s1  }
0x8c: {  	s16 =	sshll.u32 s0, $0xA;
	s2 =	sadd.s32 s3, s2  }
0x8d: {  	s2 =	sadd.s32 s2, s16  }
0x8e: {  	[smem:$0x3FB3] =	sst s2  }
0x8f: {  	_ = 	snop  }
0x90: {  	(tm) =	ssettm $0x1  }
0x91: {  	s17 =	sld [smem:$0x3FFB];
	_ =	sdelay $0x3  }
0x92: {  	_ =	strace s17  }
0x93: {  	s2 =	sld [smem:$0x3FFC];
	_ =	sdelay $0x3  }
0x94: {  	_ =	strace s2  }
0x95: {  	s2 =	sld [smem:$0x3FFD];
	_ =	sdelay $0x3  }
0x96: {  	_ =	strace s2  }
0x97: {  	_ =	strace $0x8FFFFFFF  }
0x98: {  	s18 =	sld [smem:$0x3FDB];
	_ =	sdelay $0x1  }
0x99: {  	s19 =	simm.s32 $_scs_section_size  }
0x9a: {  	s4 =	simm.s32 $_size__tile_overlayer_lowered;
	s5 =	simm.s32 $_tile_overlayer_lowered  }
0x9b: {  	s22 =	simm.s32 $0x1BFF;
	s21 =	sshll.u32 s5, $0x1;
	s2 =	sadd.s32 s19, s18  }
0x9c: {  	s6 =	simm.s32 $0x0;
	s20 =	sshll.u32 s4, $0x1;
	s4 =	sadd.s32 s21, s2  }
0x9d: {  	[timem:s6], [sflag:s22] =	dma.local [hbm:s4], s20  }
0x9e: {  	_ =	swait.ge [sflag:s22], s20  }
0x9f: {  	s3 =	ssub.s32 $0x0, s20;
	[sflag:s22] =	ssyncset.done $0x0  }
0xa0: {  	[sflag:s22] =	ssyncadd.s32 s3;
	_ =	sdelay $0x1  }
0xa1: {  	s23 =	simm.s32 $0x1B8B  }
0xa2: {  	_ =	swait.ge [sflag:s23], $0x1  }
0xa3: {  	[sflag:s23] =	ssyncset.done $0x0  }
0xa4: {  	s25 =	simm.s32 $0x1B8E;
	s24 =	sld [smem:$0x3FFE];
	[sflag:s23] =	ssyncadd.s32 $0xFFFFFFFF  }
0xa5: {  	s26 =	simm.s32 $execute0_lowered;
	[smem:$0x3FD2] =	sst s25  }
0xa6: {  	s4 =	sshll.u32 s26, $0x1;
	_ =	strace $0x80000046;
	[dreg:$0x1] =	wrdreg $0xFFFFFFFF  }
0xa7: {  	s28 =	simm.s32 $_size_execute0_lowered;
	s2 =	sadd.s32 s2, s4;
	[dreg:$0x0] =	wrdreg $0x0  }
0xa8: {  	s4 =	sshll.u32 s28, $0x1;
	[dreg:$0x2] =	wrdreg s2  }
0xa9: {  	[dreg:$0x3] =	wrdreg s4  }
0xaa: {  	[dreg:$0x4] =	wrdreg $0xC0  }
0xab: {  	_ =	task [dreg:s6], $0x5FFFF  }
0xac: {  	[dreg:$0x1] =	wrdreg $0xFFFFFFFF  }
0xad: {  	[dreg:$0x0] =	wrdreg $0x60  }
0xae: {  	[dreg:$0x2] =	wrdreg s24  }
0xaf: {  	[dreg:$0x3] =	wrdreg $0x9  }
0xb0: {  	_ =	task.clear_ibuf [dreg:s6], $0x4FFFF;
	_ =	strace $0x90000046  }
0xb1: {  	s29 =	simm.s32 $0x9;
	_ =	strace $0x80000048  }
0xb2: {  	_ =	swait.ge [sflag:s29], $0x1  }
0xb3: {  	[sflag:s29] =	ssyncadd.s32 $0xFFFFFFFF  }
0xb4: {  	_ =	strace $0x90000048  }
0xb5: {  	_ =	sfence  }
0xb6: {  	s30 =	sld [smem:$0x0];
	_ =	sdelay $0x2  }
0xb7: {  	s31 =	sshll.u32 s1, $0xD;
	s1 =	sshrl.u32 s1, $0x2  }
0xb8: {  	s3 =	sand.u32 $0x4000, s31;
	s1 =	sadd.s32 s1, s30  }
0xb9: {  	s0 =	sor.u32 s3, s0;
	s1 =	sshll.u32 s1, $0x11  }
0xba: {  	s0 =	sor.u32 s1, s0  }
0xbb: {  	s0 =	sadd.s32 $0x8F2B, s0  }
0xbc: {  	[sflag:s0] =	ssyncadd.remote.s32 $0x1  }
0xbd: {  	_ =	sfence.sel $0xFFFF  }
0xbe: {  	[dreg:$0x0] =	wrdreg $0xFFFFFFFF;
	(pc) =	sbr.abs _section_cstart, $3  }
0xbf: {  	[dreg:$0x1] =	wrdreg $0xFFFFFFFF  }
0xc0: {  	_ =	task.clear_ibuf [dreg:s6], $0x2FFFF;
	_ =	strace $0x9FFFFFFF  }
0xc1: {  	(tm) =	ssettm $0x7FFFFFFF  }
tec
execute0_lowered:
.L_overlay_start_1:
0x0: {  	(tag) =	ssettag $0x1  }
0x1: {  	s0 =	rddreg [dreg:$0x0]  }
0x2: {  	s1 =	srdreg.scid;
	s3 =	stileid.u32;
	s2 =	simm.s32 $0x0  }
0x3: {  	s17 =	simm.s32 $0x1;
	s18 =	simm.s32 $0x500;
	s19 =	simm.s32 $0xA00  }
0x4: {  	s20 =	simm.s32 $0x2880;
	s28 =	simm.s32 $0xFA80;
	s29 =	simm.s32 $0x11880  }
0x5: {  	s30 =	simm.s32 $0x13680;
	s1 =	sand.u32 $0x1, s1;
	s3 =	sshll.u32 s3, $0x1  }
0x6: {  	s31 =	simm.s32 $0x15480;
	[smem:$0x7FF] =	sst s2;
	s4 =	sor.u32 s1, s3  }
0x7: {  	_ =	strace $0x80000047;
	s1 =	ssub.s32 $0x2, s1;
	s21 =	smul.u32 $0x1E00, s4  }
0x8: {  	s3 =	sadd.s32 $0xE00, s0;
	s5 =	smul.u32 $0xC4, s4;
	s7 =	sshrl.u32 s1, $0x1  }
0x9: {  	s4 =	sadd.s32 $0x2200, s0;
	s1 =	ssub.s32 s1, s7;
	s6 =	sshrl.u32 s21, $0x3  }
0xa: {  	s16 =	smax.u32 s1, $0x1;
	s14 =	sadd.s32 s6, s0;
	s0 =	sadd.s32 s5, s0  }
0xb: {  	s5 =	sadd.s32 $0x5000, s14;
	s6 =	sadd.s32 $0xC800, s14;
	s7 =	sadd.s32 $0x14000, s14  }
0xc: {  	v1 =	vlaneseq.u32;
	v2 =	vimm.f32 $0.0e+00;
	s8 =	sadd.s32 $0x1B800, s14;
	s9 =	sadd.s32 $0x23000, s14;
	s10 =	sadd.s32 $0x2A800, s14  }
0xd: {  	v3 =	vimm.s32 $0xFFFFFFFF;
	v6 =	vimm.f32 $1.000000000e+00;
	v7 =	vimm.s32 $0x0;
	s11 =	sadd.s32 $0x32000, s14;
	s12 =	sadd.s32 $0x39800, s14;
	s13 =	sadd.s32 $0x41000, s14  }
0xe: {  	v4 =	vor.u32 $0x80000000, v1;
	v5 =	vor.u32 $0x8001E000, v1;
	v0 =	vmov s21;
	s14 =	sadd.s32 $0x48800, s14;
	s15 =	sadd.s32 $0x3600, s0;
	s0 =	simm.s32 $0x0  }
.LBB2_1:
0xf: {  	s1 =	simm.s32 $0x0  }
.LBB2_2:
0x10: {  	p0 =	sne.s32 s1, $0x79C0  }
.Ltmp0:
0x11: {  	_ = 	snop;
	(pc) =	sbr.rel @p0 .LBB2_2-.Ltmp0, $3  }
0x12: {  	_ =	sdelay $0x1  }
0x13: {  	s21 =	sshra.s32 s1, $0x2  }
0x14: {  	s1 =	sadd.s32 $0x40, s1;
	[tilespmem:s21+$0xA00] =	vst v2  }
0x15: {  	s21 =	simm.s32 $0x0  }
0x16: {  	s1 =	simm.s32 $0x10;
	s21 =	sand.u32 $0x1FF0, s21  }
.LBB2_4:
0x17: {  	p0 =	sne.s32 s1, $0x1DF0;
	[tilespmem:s21+$0x13680] =	vst v2;
	s21 =	smov.u32 s1;
	s1 =	sadd.s32 $0x10, s1  }
.Ltmp1:
0x18: {  	(pc) =	sbr.rel @p0 .LBB2_4-.Ltmp1, $2  }
0x19: {  	_ =	sdelay $0x2  }
0x1a: {  	s21 =	sand.u32 $0x1FF0, s21  }
0x1b: {  	[tilespmem:s21+$0x13680] =	vst v2  }
0x1c: {  	[tilespmem:$0x15B10] =	vst v3  }
0x1d: {  	[tilespmem:$0x15B90] =	vst v3  }
0x1e: {  	[tilespmem:$0x15C10] =	vst v3  }
0x1f: {  	s1 =	simm.s32 $0x0;
	s21 =	simm.s32 $0x0;
	[tilespmem:$0x15C90] =	vst v3  }
.LBB2_6:
0x20: {  	s22 =	smul.u32 $0xA0, s21;
	_ =	sdelay $0x1  }
0x21: {  	s23 =	sadd.s32 s3, s22  }
0x22: {  	[tilespmem:s1], [sflag:$0x1] =	stream.linear.gather [hbm4b:s23+s1], $0x500, $0x38;
	[tilespmem:$0x15D00] =	vst v63  }
0x23: {  	_ =	swait.ge [sflag:s17], $0x500  }
0x24: {  	[sflag:s17] =	ssyncset.done $0x0  }
0x25: {  	s22 =	sadd.s32 s4, s22;
	[sflag:s17] =	ssyncadd.s32 $0xFFFFFB00  }
0x26: {  	[tilespmem:s18], [sflag:$0x1] =	stream.linear.gather [hbm4b:s22+s1], $0x500, $0x38;
	[tilespmem:$0x15D00] =	vst v63  }
0x27: {  	_ =	swait.ge [sflag:s17], $0x500  }
0x28: {  	[sflag:s17] =	ssyncset.done $0x0  }
0x29: {  	s22 =	simm.s32 $0x0;
	[sflag:s17] =	ssyncadd.s32 $0xFFFFFB00  }
.LBB2_7:
0x2a: {  	s23 =	sshra.s32 s22, $0x2  }
0x2b: {  	v8 =	vld [tilespmem:s23+$0x0];
	_ =	sdelay $0x3  }
0x2c: {  	v9 =	vld [tilespmem:s23+$0x500]  }
0x2d: {  	v8 =	vsub.s32 v8, v0  }
0x2e: {  	v10 =	vshll.u32 v8, $0x4  }
0x2f: {  	vm0 =	vlt.u32 v8, $0x1E00;
	v10 =	vxor.u32 v4, v10  }
0x30: {  	v10 =	vsel vm0, v10, v5  }
0x31: {  	(xrf1) =	vsort.ascd.msk.u32 $0xffff, v10, v9;
	_ =	sdelay $0xd  }
0x32: {  	v9, v10, _ =	vpop (xrf1)  }
0x33: {  	v9 =	vxor.u32 $0x80000000, v9  }
0x34: {  	[tilespmem:$0x15B00] =	vst v9  }
0x35: {  	v11 =	vld [tilespmem:$0x15B01];
	_ =	sdelay $0x4  }
0x36: {  	v12 =	vshra.s32 v9, $0x4;
	v11 =	vshra.s32 v11, $0x4  }
0x37: {  	vm2 =	vlt.s32 v9, $0x1E000;
	vm1 =	vne.s32 v12, v11  }
0x38: {  	v51 =	vadd.s32 $0x40, v12;
	vm1 =	vmand vm2, vm1  }
0x39: {  	v8 =	vadd.s32 $0x10E00, v8;
	v9 =	vnsel vm2, $0x0, v51  }
0x3a: {  	v8 =	vnsel vm0, $0x10E00, v8;
	_ =	sdelay $0x3  }
0x3b: {  	[tilespmem:v9+s19+$0x0] =	vst.idx.msk vm1, v10  }
0x3c: {  	[tilespmem:v8+s20+$0x0] =	vst.idx.msk vm0, v6  }
0x3d: {  	v8 =	vld [tilespmem:s23+$0x10];
	_ =	sdelay $0x3  }
0x3e: {  	v9 =	vld [tilespmem:s23+$0x510]  }
0x3f: {  	v8 =	vsub.s32 v8, v0  }
0x40: {  	v52 =	vshll.u32 v8, $0x4  }
0x41: {  	vm7 =	vlt.u32 v8, $0x1E00;
	v10 =	vxor.u32 v4, v52  }
0x42: {  	v10 =	vsel vm7, v10, v5  }
0x43: {  	(xrf1) =	vsort.ascd.msk.u32 $0xffff, v10, v9;
	_ =	sdelay $0xd  }
0x44: {  	v9, v10, _ =	vpop (xrf1)  }
0x45: {  	v9 =	vxor.u32 $0x80000000, v9  }
0x46: {  	[tilespmem:$0x15B80] =	vst v9  }
0x47: {  	v53 =	vld [tilespmem:$0x15B81];
	_ =	sdelay $0x4  }
0x48: {  	v54 =	vshra.s32 v9, $0x4;
	v11 =	vshra.s32 v53, $0x4  }
0x49: {  	vm9 =	vlt.s32 v9, $0x1E000;
	vm8 =	vne.s32 v54, v11  }
0x4a: {  	v55 =	vadd.s32 $0x40, v54;
	vm1 =	vmand vm9, vm8  }
0x4b: {  	v8 =	vadd.s32 $0x10E00, v8;
	v9 =	vnsel vm9, $0x0, v55  }
0x4c: {  	v8 =	vnsel vm7, $0x10E00, v8;
	_ =	sdelay $0x3  }
0x4d: {  	[tilespmem:v9+s19+$0x0] =	vst.idx.msk vm1, v10  }
0x4e: {  	[tilespmem:v8+s20+$0x0] =	vst.idx.msk vm7, v6  }
0x4f: {  	v8 =	vld [tilespmem:s23+$0x20];
	_ =	sdelay $0x3  }
0x50: {  	v9 =	vld [tilespmem:s23+$0x520]  }
0x51: {  	v8 =	vsub.s32 v8, v0  }
0x52: {  	v56 =	vshll.u32 v8, $0x4  }
0x53: {  	vm10 =	vlt.u32 v8, $0x1E00;
	v10 =	vxor.u32 v4, v56  }
0x54: {  	v10 =	vsel vm10, v10, v5  }
0x55: {  	(xrf1) =	vsort.ascd.msk.u32 $0xffff, v10, v9;
	_ =	sdelay $0xd  }
0x56: {  	v9, v10, _ =	vpop (xrf1)  }
0x57: {  	v9 =	vxor.u32 $0x80000000, v9  }
0x58: {  	[tilespmem:$0x15C00] =	vst v9  }
0x59: {  	v57 =	vld [tilespmem:$0x15C01];
	_ =	sdelay $0x4  }
0x5a: {  	v58 =	vshra.s32 v9, $0x4;
	v11 =	vshra.s32 v57, $0x4  }
0x5b: {  	vm12 =	vlt.s32 v9, $0x1E000;
	vm11 =	vne.s32 v58, v11  }
0x5c: {  	v59 =	vadd.s32 $0x40, v58;
	vm1 =	vmand vm12, vm11  }
0x5d: {  	v8 =	vadd.s32 $0x10E00, v8;
	v9 =	vnsel vm12, $0x0, v59  }
0x5e: {  	v8 =	vnsel vm10, $0x10E00, v8;
	_ =	sdelay $0x3  }
0x5f: {  	[tilespmem:v9+s19+$0x0] =	vst.idx.msk vm1, v10  }
0x60: {  	[tilespmem:v8+s20+$0x0] =	vst.idx.msk vm10, v6  }
0x61: {  	v8 =	vld [tilespmem:s23+$0x30];
	_ =	sdelay $0x3  }
0x62: {  	v9 =	vld [tilespmem:s23+$0x530]  }
0x63: {  	v8 =	vsub.s32 v8, v0  }
0x64: {  	v60 =	vshll.u32 v8, $0x4  }
0x65: {  	vm13 =	vlt.u32 v8, $0x1E00;
	v10 =	vxor.u32 v4, v60  }
0x66: {  	v10 =	vsel vm13, v10, v5  }
0x67: {  	(xrf1) =	vsort.ascd.msk.u32 $0xffff, v10, v9;
	_ =	sdelay $0xd  }
0x68: {  	v9, v10, _ =	vpop (xrf1)  }
0x69: {  	v9 =	vxor.u32 $0x80000000, v9  }
0x6a: {  	[tilespmem:$0x15C80] =	vst v9  }
0x6b: {  	v61 =	vld [tilespmem:$0x15C81];
	_ =	sdelay $0x4  }
0x6c: {  	v62 =	vshra.s32 v9, $0x4;
	v11 =	vshra.s32 v61, $0x4  }
0x6d: {  	vm15 =	vlt.s32 v9, $0x1E000;
	vm14 =	vne.s32 v62, v11  }
0x6e: {  	v63 =	vadd.s32 $0x40, v62;
	vm1 =	vmand vm15, vm14  }
0x6f: {  	v8 =	vadd.s32 $0x10E00, v8;
	v9 =	vnsel vm15, $0x0, v63  }
0x70: {  	p0 =	sne.s32 s22, $0x1300;
	v8 =	vnsel vm13, $0x10E00, v8  }
.Ltmp2:
0x71: {  	_ = 	snop;
	(pc) =	sbr.rel @p0 .LBB2_7-.Ltmp2, $3  }
0x72: {  	_ =	sdelay $0x1  }
0x73: {  	[tilespmem:v9+s19+$0x0] =	vst.idx.msk vm1, v10  }
0x74: {  	s22 =	sadd.s32 $0x100, s22;
	[tilespmem:v8+s20+$0x0] =	vst.idx.msk vm13, v6  }
0x75: {  	s21 =	sadd.s32 $0x1, s21  }
0x76: {  	p0 =	sne.s32 s21, $0x1E  }
.Ltmp3:
0x77: {  	_ = 	snop;
	(pc) =	sbr.rel @p0 .LBB2_6-.Ltmp3, $1  }
0x78: {  	_ =	sdelay $0x3  }
0x79: {  	s1 =	simm.s32 $0xA61  }
0x7a: {  	v8 =	vld [tilespmem:s1+$0xFFFFFFBE];
	_ =	sdelay $0x3  }
0x7b: {  	s23 =	simm.s32 $0x2880  }
0x7c: {  	[tilespmem:s23+$0x0] =	vst v8  }
0x7d: {  	v8 =	vld [tilespmem:s1+$0xFFFFFFBF];
	_ =	sdelay $0x2  }
0x7e: {  	s22 =	simm.s32 $0x0  }
0x7f: {  	s21 =	sand.u32 $0x1FF0, s22  }
0x80: {  	[tilespmem:s21+$0x4680] =	vst v8  }
0x81: {  	v8 =	vld [tilespmem:s1+$0xFFFFFFC0];
	_ =	sdelay $0x4  }
0x82: {  	[tilespmem:s21+$0x6480] =	vst v8  }
0x83: {  	v8 =	vld [tilespmem:s1+$0xFFFFFFDE];
	_ =	sdelay $0x4  }
0x84: {  	[tilespmem:s21+$0x8280] =	vst v8  }
0x85: {  	v8 =	vld [tilespmem:s1+$0xFFFFFFE0];
	_ =	sdelay $0x4  }
0x86: {  	[tilespmem:s21+$0xBE80] =	vst v8  }
0x87: {  	v8 =	vld [tilespmem:s1+$0xFFFFFFFE];
	_ =	sdelay $0x4  }
0x88: {  	[tilespmem:s21+$0xDC80] =	vst v8  }
0x89: {  	v8 =	vld [tilespmem:s1+$0xFFFFFFFF];
	_ =	sdelay $0x4  }
0x8a: {  	[tilespmem:s21+$0xFA80] =	vst v8  }
0x8b: {  	v8 =	vld [tilespmem:s1+$0x0];
	_ =	sdelay $0x4  }
0x8c: {  	[tilespmem:s21+$0x11880] =	vst v8;
	s21 =	simm.s32 $0xA71  }
0x8d: {  	s25 =	simm.s32 $0x20;
	s24 =	simm.s32 $0x10;
	s1 =	simm.s32 $0x10;
	v8 =	vld [tilespmem:s21+$0xFFFFFFBE]  }
.LBB2_10:
0x8e: {  	p0 =	sne.s32 s25, $0x1DF0;
	_ =	sdelay $0x2  }
0x8f: {  	s23 =	sadd.s32 $0x10, s23  }
0x90: {  	[tilespmem:s23+$0x0] =	vst v8  }
0x91: {  	v8 =	vld [tilespmem:s21+$0xFFFFFFBF];
	_ =	sdelay $0x3  }
0x92: {  	s26 =	sand.u32 $0x1FF0, s24;
	s24 =	smov.u32 s25  }
0x93: {  	[tilespmem:s26+$0x4680] =	vst v8  }
0x94: {  	v8 =	vld [tilespmem:s21+$0xFFFFFFC0];
	_ =	sdelay $0x4  }
0x95: {  	[tilespmem:s26+$0x6480] =	vst v8  }
0x96: {  	v8 =	vld [tilespmem:s21+$0xFFFFFFDE];
	_ =	sdelay $0x4  }
0x97: {  	[tilespmem:s26+$0x8280] =	vst v8  }
0x98: {  	v8 =	vld [tilespmem:s21+$0xFFFFFFE0];
	_ =	sdelay $0x4  }
0x99: {  	[tilespmem:s26+$0xBE80] =	vst v8  }
0x9a: {  	v8 =	vld [tilespmem:s21+$0xFFFFFFFE];
	_ =	sdelay $0x4  }
0x9b: {  	[tilespmem:s26+$0xDC80] =	vst v8  }
0x9c: {  	v8 =	vld [tilespmem:s21+$0xFFFFFFFF];
	_ =	sdelay $0x4  }
0x9d: {  	[tilespmem:s26+$0xFA80] =	vst v8  }
0x9e: {  	v8 =	vld [tilespmem:s21+$0x0];
	_ =	sdelay $0x1  }
.Ltmp4:
0x9f: {  	(pc) =	sbr.rel @p0 .LBB2_10-.Ltmp4, $3  }
0xa0: {  	_ =	sdelay $0x1  }
0xa1: {  	s21 =	sadd.s32 $0x10, s21;
	[tilespmem:s26+$0x11880] =	vst v8  }
0xa2: {  	s25 =	sadd.s32 $0x10, s25;
	v8 =	vld [tilespmem:s21+$0xFFFFFFBE]  }
0xa3: {  	_ =	sdelay $0x2  }
0xa4: {  	s23 =	sadd.s32 $0x10, s23  }
0xa5: {  	[tilespmem:s23+$0x0] =	vst v8  }
0xa6: {  	v8 =	vld [tilespmem:s21+$0xFFFFFFBF];
	_ =	sdelay $0x3  }
0xa7: {  	s25 =	sand.u32 $0x1FF0, s24  }
0xa8: {  	[tilespmem:s25+$0x4680] =	vst v8  }
0xa9: {  	v8 =	vld [tilespmem:s21+$0xFFFFFFC0];
	_ =	sdelay $0x4  }
0xaa: {  	[tilespmem:s25+$0x6480] =	vst v8  }
0xab: {  	v8 =	vld [tilespmem:s21+$0xFFFFFFDE];
	_ =	sdelay $0x4  }
0xac: {  	[tilespmem:s25+$0x8280] =	vst v8  }
0xad: {  	v8 =	vld [tilespmem:s21+$0xFFFFFFE0]  }
0xae: {  	v9 =	vor.u32 s22, v1  }
0xaf: {  	v10 =	vmulhi.u32 $0x5397829D, v9;
	_ =	sdelay $0x1  }
0xb0: {  	v10 =	vshrl.u32 v10, $0x6  }
0xb1: {  	[tilespmem:s25+$0xBE80] =	vst v8;
	v8 =	vmul.u32 $0xFFFFFF3C, v10  }
0xb2: {  	v11 =	vld [tilespmem:s21+$0xFFFFFFFE]  }
0xb3: {  	v8 =	vadd.s32 v9, v8  }
0xb4: {  	v9 =	vand.u32 $0xFF, v8  }
0xb5: {  	v12 =	vmov s22;
	v9 =	vmulhi.u32 $0x12492493, v9  }
0xb6: {  	vm0 =	veq.s32 v12, v1;
	vm1 =	vne.s32 v8, $0x0  }
0xb7: {  	v13 =	vor.u32 s1, v1;
	vm0 =	vmand vm0, vm1;
	[tilespmem:s25+$0xDC80] =	vst v11;
	v11 =	vmul.u32 $0xF2, v9  }
0xb8: {  	v15 =	vmulhi.u32 $0x5397829D, v13;
	v14 =	vsel vm0, $0xFFFFFFFF, v7;
	v12 =	vld [tilespmem:s21+$0xFFFFFFFF]  }
0xb9: {  	v10 =	vadd.s32 v14, v10;
	v8 =	vadd.s32 v8, v11  }
0xba: {  	v10 =	vmul.u32 $0x3C0, v10;
	v11 =	vshrl.u32 v15, $0x6;
	v8 =	vshll.u32 v8, $0x1  }
0xbb: {  	v9 =	vshll.u32 v9, $0x6;
	v14 =	vmul.u32 $0xFFFFFF3C, v11;
	v8 =	vor.u32 $0x1, v8  }
0xbc: {  	v9 =	vadd.s32 v10, v9;
	v8 =	vand.u32 $0xFF, v8  }
0xbd: {  	v10 =	vadd.s32 v13, v14;
	[tilespmem:s25+$0xFA80] =	vst v12;
	v8 =	vadd.s32 v8, v9  }
0xbe: {  	v12 =	vand.u32 $0xFF, v10;
	v9 =	vld [tilespmem:s21+$0x0];
	v8 =	vadd.s32 $0x10E20, v8  }
0xbf: {  	v14 =	vmov s1;
	v12 =	vmulhi.u32 $0x12492493, v12;
	v13 =	vadd.s32 $0x1, v8  }
0xc0: {  	vm12 =	veq.s32 v14, v1;
	vm13 =	vne.s32 v10, $0x0  }
0xc1: {  	vm0 =	vmand vm12, vm13;
	v14 =	vadd.s32 $0x20, v8;
	v16 =	vmul.u32 $0xF2, v12  }
0xc2: {  	s26 =	simm.s32 $0x20;
	v15 =	vadd.s32 $0x21, v8;
	v17 =	vsel vm0, $0xFFFFFFFF, v7  }
0xc3: {  	v11 =	vadd.s32 v17, v11;
	v10 =	vadd.s32 v10, v16;
	[tilespmem:s25+$0x11880] =	vst v9;
	v9 =	vor.u32 s26, v1  }
0xc4: {  	v11 =	vmul.u32 $0x3C0, v11;
	v10 =	vshll.u32 v10, $0x1;
	v13 =	vld.idx.msk [tilespmem:v13+s20+$0x0], $0xffff;
	v18 =	vmulhi.u32 $0x5397829D, v9  }
0xc5: {  	v12 =	vshll.u32 v12, $0x6;
	v8 =	vld.idx.msk [tilespmem:v8+s20+$0x0], $0xffff;
	v10 =	vor.u32 $0x1, v10  }
0xc6: {  	v11 =	vadd.s32 v11, v12;
	v14 =	vld.idx.msk [tilespmem:v14+s20+$0x0], $0xffff;
	v10 =	vand.u32 $0xFF, v10;
	v16 =	vshrl.u32 v18, $0x6  }
0xc7: {  	v15 =	vld.idx.msk [tilespmem:v15+s20+$0x0], $0xffff;
	v10 =	vadd.s32 v10, v11;
	v17 =	vmul.u32 $0xFFFFFF3C, v16  }
0xc8: {  	v10 =	vadd.s32 $0x10E20, v10  }
0xc9: {  	v19 =	vadd.s32 $0x20, v10;
	v11 =	vadd.s32 v9, v17  }
0xca: {  	v9 =	vmov s26;
	v17 =	vadd.s32 $0x1, v10;
	v12 =	vand.u32 $0xFF, v11  }
0xcb: {  	v8 =	vmax.f32 v8, v13;
	v13 =	vadd.s32 $0x21, v10;
	v18 =	vmulhi.u32 $0x12492493, v12  }
0xcc: {  	vm14 =	veq.s32 v9, v1;
	v9 =	vmax.f32 v14, v15;
	vm15 =	vne.s32 v11, $0x0  }
0xcd: {  	s1 =	simm.s32 $0x15480;
	s21 =	simm.s32 $0x30;
	v8 =	vmax.f32 v8, v9;
	vm0 =	vmand vm14, vm15;
	v14 =	vmul.u32 $0xF2, v18  }
0xce: {  	v12 =	vor.u32 s21, v1;
	[tilespmem:s1+$0x0] =	vst v8;
	v8 =	vsel vm0, $0xFFFFFFFF, v7  }
0xcf: {  	v15 =	vmulhi.u32 $0x5397829D, v12;
	v8 =	vadd.s32 v8, v16;
	v10 =	vld.idx.msk [tilespmem:v10+s20+$0x0], $0xffff;
	v11 =	vadd.s32 v11, v14  }
0xd0: {  	v9 =	vld.idx.msk [tilespmem:v17+s20+$0x0], $0xffff;
	v16 =	vmul.u32 $0x3C0, v8;
	v14 =	vshll.u32 v11, $0x1  }
0xd1: {  	v8 =	vshrl.u32 v15, $0x6;
	v15 =	vshll.u32 v18, $0x6;
	v13 =	vld.idx.msk [tilespmem:v13+s20+$0x0], $0xffff;
	v17 =	vor.u32 $0x1, v14  }
0xd2: {  	s22 =	simm.s32 $0x40;
	v11 =	vld.idx.msk [tilespmem:v19+s20+$0x0], $0xffff;
	v15 =	vadd.s32 v16, v15;
	v14 =	vmul.u32 $0xFFFFFF3C, v8;
	v16 =	vand.u32 $0xFF, v17  }
.LBB2_12:
0xd3: {  	p0 =	sne.s32 s22, $0x610;
	v15 =	vadd.s32 v16, v15  }
0xd4: {  	v14 =	vadd.s32 v12, v14;
	v15 =	vadd.s32 $0x10E20, v15  }
0xd5: {  	v12 =	vmov s21;
	s21 =	smov.u32 s22;
	v16 =	vand.u32 $0xFF, v14;
	v17 =	vadd.s32 $0x1, v15  }
0xd6: {  	vm0 =	veq.s32 v12, v1;
	v16 =	vmulhi.u32 $0x12492493, v16  }
0xd7: {  	v9 =	vmax.f32 v10, v9;
	v18 =	vadd.s32 $0x20, v15;
	v10 =	vmax.f32 v11, v13  }
0xd8: {  	s1 =	sadd.s32 $0x10, s1;
	vm1 =	vne.s32 v14, $0x0;
	v13 =	vadd.s32 $0x21, v15;
	v9 =	vmax.f32 v9, v10  }
0xd9: {  	vm0 =	vmand vm0, vm1;
	v10 =	vmul.u32 $0xF2, v16;
	[tilespmem:s1+$0x0] =	vst v9  }
.Ltmp5:
0xda: {  	v12 =	vor.u32 s22, v1;
	v11 =	vsel vm0, $0xFFFFFFFF, v7;
	v9 =	vld.idx.msk [tilespmem:v17+s20+$0x0], $0xffff;
	(pc) =	sbr.rel @p0 .LBB2_12-.Ltmp5, $4  }
0xdb: {  	v8 =	vadd.s32 v11, v8;
	v17 =	vmulhi.u32 $0x5397829D, v12;
	v11 =	vadd.s32 v14, v10;
	v10 =	vld.idx.msk [tilespmem:v15+s20+$0x0], $0xffff  }
0xdc: {  	v15 =	vmul.u32 $0x3C0, v8;
	v14 =	vshll.u32 v11, $0x1;
	v11 =	vld.idx.msk [tilespmem:v18+s20+$0x0], $0xffff  }
0xdd: {  	v16 =	vshll.u32 v16, $0x6;
	v8 =	vshrl.u32 v17, $0x6;
	v17 =	vor.u32 $0x1, v14;
	v13 =	vld.idx.msk [tilespmem:v13+s20+$0x0], $0xffff  }
0xde: {  	s22 =	sadd.s32 $0x10, s22;
	v14 =	vmul.u32 $0xFFFFFF3C, v8;
	v15 =	vadd.s32 v15, v16;
	v16 =	vand.u32 $0xFF, v17  }
0xdf: {  	v15 =	vadd.s32 v16, v15;
	v46 =	vmov s21  }
0xe0: {  	v12 =	vadd.s32 v12, v14;
	v47 =	vadd.s32 $0x10E20, v15;
	vm0 =	veq.s32 v46, v1  }
0xe1: {  	v9 =	vmax.f32 v10, v9;
	v48 =	vand.u32 $0xFF, v12;
	v17 =	vadd.s32 $0x1, v47  }
0xe2: {  	v49 =	vadd.s32 $0x20, v47;
	v15 =	vmulhi.u32 $0x12492493, v48;
	v50 =	vmax.f32 v11, v13  }
0xe3: {  	s1 =	sadd.s32 $0x10, s1;
	vm1 =	vne.s32 v12, $0x0;
	v51 =	vadd.s32 $0x21, v47;
	v9 =	vmax.f32 v9, v50  }
0xe4: {  	vm0 =	vmand vm0, vm1;
	v52 =	vmul.u32 $0xF2, v15;
	[tilespmem:s1+$0x0] =	vst v9  }
0xe5: {  	v53 =	vsel vm0, $0xFFFFFFFF, v7;
	v56 =	vld.idx.msk [tilespmem:v47+s20+$0x0], $0xffff  }
0xe6: {  	v8 =	vadd.s32 v53, v8;
	v54 =	vld.idx.msk [tilespmem:v17+s20+$0x0], $0xffff;
	v55 =	vadd.s32 v12, v52  }
0xe7: {  	v8 =	vmul.u32 $0x3C0, v8;
	v57 =	vld.idx.msk [tilespmem:v49+s20+$0x0], $0xffff;
	v9 =	vshll.u32 v55, $0x1  }
0xe8: {  	v58 =	vshll.u32 v15, $0x6;
	v11 =	vld.idx.msk [tilespmem:v51+s20+$0x0], $0xffff;
	v9 =	vor.u32 $0x1, v9  }
0xe9: {  	v8 =	vadd.s32 v8, v58;
	v9 =	vand.u32 $0xFF, v9  }
0xea: {  	v8 =	vadd.s32 v9, v8  }
0xeb: {  	v8 =	vadd.s32 $0x10E20, v8  }
0xec: {  	v59 =	vadd.s32 $0x1, v8  }
0xed: {  	v10 =	vmax.f32 v56, v54;
	v11 =	vmax.f32 v57, v11;
	v60 =	vadd.s32 $0x20, v8  }
0xee: {  	s1 =	sadd.s32 $0x10, s1;
	v61 =	vadd.s32 $0x21, v8;
	v10 =	vmax.f32 v10, v11  }
0xef: {  	[tilespmem:s1+$0x0] =	vst v10  }
0xf0: {  	v8 =	vld.idx.msk [tilespmem:v8+s20+$0x0], $0xffff  }
0xf1: {  	v9 =	vld.idx.msk [tilespmem:v59+s20+$0x0], $0xffff  }
0xf2: {  	v10 =	vld.idx.msk [tilespmem:v60+s20+$0x0], $0xffff  }
0xf3: {  	v62 =	vld.idx.msk [tilespmem:v61+s20+$0x0], $0xffff;
	_ =	sdelay $0x4  }
0xf4: {  	v8 =	vmax.f32 v8, v9;
	v63 =	vmax.f32 v10, v62  }
0xf5: {  	s1 =	sadd.s32 $0x10, s1;
	v8 =	vmax.f32 v8, v63  }
0xf6: {  	[tilespmem:s1+$0x0] =	vst v8  }
0xf7: {  	[hbm4b:s5+s2] =	stream.linear.scatter [tilespmem:s20], [sflag:$0x1], $0x1E00, $0x38;
	[tilespmem:$0x15D00] =	vst v63  }
0xf8: {  	_ =	swait.ge [sflag:s17], $0x1E00  }
0xf9: {  	[sflag:s17] =	ssyncset.done $0x0  }
0xfa: {  	s21 =	simm.s32 $0x4680;
	[sflag:s17] =	ssyncadd.s32 $0xFFFFE200  }
0xfb: {  	[hbm4b:s6+s2] =	stream.linear.scatter [tilespmem:s21], [sflag:$0x1], $0x1E00, $0x38;
	[tilespmem:$0x15D00] =	vst v63  }
0xfc: {  	_ =	swait.ge [sflag:s17], $0x1E00  }
0xfd: {  	[sflag:s17] =	ssyncset.done $0x0  }
0xfe: {  	s22 =	simm.s32 $0x6480;
	[sflag:s17] =	ssyncadd.s32 $0xFFFFE200  }
0xff: {  	[hbm4b:s7+s2] =	stream.linear.scatter [tilespmem:s22], [sflag:$0x1], $0x1E00, $0x38;
	[tilespmem:$0x15D00] =	vst v63  }
0x100: {  	_ =	swait.ge [sflag:s17], $0x1E00  }
0x101: {  	[sflag:s17] =	ssyncset.done $0x0  }
0x102: {  	s23 =	simm.s32 $0x8280;
	[sflag:s17] =	ssyncadd.s32 $0xFFFFE200  }
0x103: {  	[hbm4b:s8+s2] =	stream.linear.scatter [tilespmem:s23], [sflag:$0x1], $0x1E00, $0x38;
	[tilespmem:$0x15D00] =	vst v63  }
0x104: {  	_ =	swait.ge [sflag:s17], $0x1E00  }
0x105: {  	[sflag:s17] =	ssyncset.done $0x0  }
0x106: {  	s24 =	simm.s32 $0xA40;
	[sflag:s17] =	ssyncadd.s32 $0xFFFFE200  }
0x107: {  	[hbm4b:s9+s2] =	stream.linear.scatter [tilespmem:s24], [sflag:$0x1], $0x1E00, $0x38;
	[tilespmem:$0x15D00] =	vst v63  }
0x108: {  	_ =	swait.ge [sflag:s17], $0x1E00  }
0x109: {  	[sflag:s17] =	ssyncset.done $0x0  }
0x10a: {  	s25 =	simm.s32 $0xBE80;
	[sflag:s17] =	ssyncadd.s32 $0xFFFFE200  }
0x10b: {  	[hbm4b:s10+s2] =	stream.linear.scatter [tilespmem:s25], [sflag:$0x1], $0x1E00, $0x38;
	[tilespmem:$0x15D00] =	vst v63  }
0x10c: {  	_ =	swait.ge [sflag:s17], $0x1E00  }
0x10d: {  	[sflag:s17] =	ssyncset.done $0x0  }
0x10e: {  	s26 =	simm.s32 $0xDC80;
	[sflag:s17] =	ssyncadd.s32 $0xFFFFE200  }
0x10f: {  	[hbm4b:s11+s2] =	stream.linear.scatter [tilespmem:s26], [sflag:$0x1], $0x1E00, $0x38;
	[tilespmem:$0x15D00] =	vst v63  }
0x110: {  	_ =	swait.ge [sflag:s17], $0x1E00  }
0x111: {  	[sflag:s17] =	ssyncset.done $0x0  }
0x112: {  	[sflag:s17] =	ssyncadd.s32 $0xFFFFE200  }
0x113: {  	[hbm4b:s12+s2] =	stream.linear.scatter [tilespmem:s28], [sflag:$0x1], $0x1E00, $0x38;
	[tilespmem:$0x15D00] =	vst v63  }
0x114: {  	_ =	swait.ge [sflag:s17], $0x1E00  }
0x115: {  	[sflag:s17] =	ssyncset.done $0x0  }
0x116: {  	[sflag:s17] =	ssyncadd.s32 $0xFFFFE200  }
0x117: {  	[hbm4b:s13+s2] =	stream.linear.scatter [tilespmem:s29], [sflag:$0x1], $0x1E00, $0x38;
	[tilespmem:$0x15D00] =	vst v63  }
0x118: {  	_ =	swait.ge [sflag:s17], $0x1E00  }
0x119: {  	[sflag:s17] =	ssyncset.done $0x0  }
0x11a: {  	[sflag:s17] =	ssyncadd.s32 $0xFFFFE200  }
0x11b: {  	[hbm4b:s14+s2] =	stream.linear.scatter [tilespmem:s30], [sflag:$0x1], $0x1E00, $0x38;
	[tilespmem:$0x15D00] =	vst v63  }
0x11c: {  	s0 =	sadd.s32 $0x1, s0;
	_ =	swait.ge [sflag:s17], $0x1E00  }
0x11d: {  	p0 =	sne.s32 s0, s16;
	[sflag:s17] =	ssyncset.done $0x0  }
.Ltmp6:
0x11e: {  	[sflag:s17] =	ssyncadd.s32 $0xFFFFE200;
	(pc) =	sbr.rel @p0 .LBB2_1-.Ltmp6, $4  }
0x11f: {  	[hbm4b:s15+s2] =	stream.linear.scatter [tilespmem:s31], [sflag:$0x1], $0x620, $0x38;
	[tilespmem:$0x15D00] =	vst v63  }
0x120: {  	_ =	swait.ge [sflag:s17], $0x620  }
0x121: {  	[sflag:s17] =	ssyncset.done $0x0  }
0x122: {  	[sflag:s17] =	ssyncadd.s32 $0xFFFFF9E0  }
0x123: {  	_ =	sfence.sel $0x180000  }
0x124: {  	[bflag:$0x0] =	sbarrier.arrive $0xFFFF  }
0x125: {  	_ =	strace $0x90000047  }
0x126: {  	s0 =	stileid.u32;
	[bflag:$0x2] =	sbarrier.arrive $0xFFFF  }
0x127: {  	p0 =	sne.s32 s0, $0x0;
	s0 =	rddreg [dreg:$0x1]  }
0x128: {  	s0 =	sadd.s32 @!p0 $0x100000, s0  }
0x129: {  	[sflag:s0] =	ssyncadd.tile.s32 @!p0 $0x1;
	_ =	shalt  }
.Lfunc_end2:
_tile_overlayer_lowered:
.L_overlay_start_2:
0x12a: {  	(tag) =	ssettag $0x2  }
0x12b: {  	s0 =	rddreg [dreg:$0x0];
	s2 =	stileid.u32  }
0x12c: {  	s1 =	rddreg [dreg:$0x1];
	p0 =	sne.s32 s2, $0x0  }
0x12d: {  	s3 =	rddreg [dreg:$0x2];
	[bflag:$0x3] =	sbarrier.arrive $0xFFFF;
	s2 =	simm.s32 @!p0 $0x1C01  }
0x12e: {  	[timem:s3], [sflag:s2] =	dma.local @!p0 [hbm:s0], s1  }
0x12f: {  	s0 =	simm.s32 @!p0 $0x1  }
0x130: {  	_ =	swait.ge @!p0 [sflag:s0], s1  }
0x131: {  	s1 =	ssub.s32 @!p0 $0x0, s1;
	[sflag:s0] =	ssyncset.done @!p0 $0x0  }
0x132: {  	[sflag:s0] =	ssyncadd.s32 @!p0 s1  }
0x133: {  	[bflag:$0x3] =	sbarrier.arrive $0xFFFF  }
0x134: {  	_ =	shalt  }

</sc_bundles>
